<compile_context>
chip_gen: v7x
topology: tpu7x:2x2x1
jax: 0.10.2.dev20260603
libtpu: 0.0.44.dev20260713+nightly
codegen_flags: <defaults>
</compile_context>

<pallas_src>
import functools

import jax
import jax.numpy as jnp
from jax import lax
from jax.experimental import pallas as pl
from jax.experimental.pallas import tpu as pltpu
from jax.experimental.pallas import tpu_sc as plsc

_H = 512
_W = 512
_TH = 64
_TW = 64
_NV = 10


def _sc_kernel(frame_flat, table_flat):
    info = plsc.get_sparse_core_info()
    nc, ns = info.num_cores, info.num_subcores
    nw = nc * ns
    rows_per_w = _TH // nw

    mesh = plsc.VectorSubcoreMesh(core_axis_name="c", subcore_axis_name="s")

    @functools.partial(
        pl.kernel,
        mesh=mesh,
        compiler_params=pltpu.CompilerParams(needs_layout_passes=False),
        out_type=jax.ShapeDtypeStruct((3 * _TH * _TW,), jnp.float32),
        scratch_types=[
            pltpu.VMEM((rows_per_w, _W), jnp.int32),
            pltpu.VMEM((_NV * 3,), jnp.float32),
            pltpu.VMEM((3, rows_per_w * _TW), jnp.float32),
            pltpu.SemaphoreType.DMA,
            pltpu.SemaphoreType.DMA,
            pltpu.SemaphoreType.DMA,
            pltpu.SemaphoreType.DMA,
        ],
    )
    def k(frame_hbm, table_hbm, out_hbm, rows_v, table_v, out_v,
          sem_t, sem_r0, sem_r1, sem_out):
        wid = lax.axis_index("s") * nc + lax.axis_index("c")
        i0 = wid * rows_per_w
        cp_t = pltpu.async_copy(table_hbm, table_v, sem_t)
        row_sems = [sem_r0, sem_r1]
        row_copies = []
        for r in range(rows_per_w):
            src_row = (i0 + r) * (_H // _TH)
            row_copies.append(
                pltpu.async_copy(
                    frame_hbm.at[pl.ds(src_row * _W, _W)], rows_v.at[r], row_sems[r]
                )
            )
        cp_t.wait()
        out_copies = []
        for r in range(rows_per_w):
            row_copies[r].wait()
            row_sel = jnp.full((16,), r, jnp.int32)
            for chunk in range(_TW // 16):
                col_idx = lax.iota(jnp.int32, 16) * (_W // _TW) + chunk * 16 * (_W // _TW)
                vals = plsc.load_gather(rows_v, [row_sel, col_idx])
                base3 = vals * 3
                for c in range(3):
                    rgb = plsc.load_gather(table_v, [base3 + c])
                    out_v[c, pl.ds(r * _TW + chunk * 16, 16)] = rgb
            for c in range(3):
                out_copies.append(
                    pltpu.async_copy(
                        out_v.at[c, pl.ds(r * _TW, _TW)],
                        out_hbm.at[pl.ds(c * _TH * _TW + (i0 + r) * _TW, _TW)],
                        sem_out,
                    )
                )
        for cp in out_copies:
            cp.wait()

    return k(frame_flat, table_flat)


@jax.jit
def kernel(arc_frame, color_embedding):
    frame_flat = arc_frame.reshape(_H * _W)
    table_flat = color_embedding.reshape(_NV * 3)
    out = _sc_kernel(frame_flat, table_flat)
    return out.reshape(1, 3, _TH, _TW)

# --- scband reference (transcript-rebuilt; emitter-appended) ---
"""Pipeline reference for scband-arcvisual-processor-65103114273306 (READ-ONLY COPY).

The authoritative reference and input builder live on the scoring server;
editing this copy changes nothing except your own understanding.
"""

import jax, jax.numpy as jnp
import numpy as np


def setup_inputs(seed: int = 0) -> dict:
    key = jax.random.key(seed)
    k1, k2 = jax.random.split(key)
    arc_frame = jax.random.randint(k1, (512, 512, 1), 0, 10, dtype=jnp.int32)
    color_embedding = jax.random.normal(k2, (10, 3), dtype=jnp.float32)
    return {"arc_frame": arc_frame, "color_embedding": color_embedding}


def reference(arc_frame, color_embedding):
    # nn.Embedding lookup: [H, W, C] -> [H, W, C, 3]
    emb = jnp.take(color_embedding, arc_frame, axis=0)
    # mean over the channel axis (dim=2): [H, W, 3]
    emb = emb.mean(axis=2)
    # permute(2, 0, 1): [3, H, W]
    emb = jnp.transpose(emb, (2, 0, 1))
    H, W = emb.shape[1], emb.shape[2]
    th, tw = 64, 64
    if (H, W) != (th, tw):
        # F.interpolate(mode='nearest'): src_idx = floor(dst_idx * in / out)
        ri = (jnp.arange(th) * H // th).astype(jnp.int32)
        ci = (jnp.arange(tw) * W // tw).astype(jnp.int32)
        emb = emb[:, ri][:, :, ci]
    # unsqueeze(0): [1, 3, 64, 64]
    return emb[None]

if __name__ == "__main__":
    import jax
    _d = setup_inputs()
    print(jax.jit(kernel)(*tuple(_d.values())))

</pallas_src>

<mosaic_0001>
#map = affine_map<(d0, d1) -> (0)>
module attributes {stable_mosaic.version = 14 : i64} {
  func.func @k(%arg0: i32, %arg1: i32, %arg2: memref<262144xi32, #tpu.memory_space<hbm>>, %arg3: memref<30xf32, #tpu.memory_space<hbm>>, %arg4: memref<12288xf32, #tpu.memory_space<hbm>>, %arg5: memref<2x512xi32, #tpu.memory_space<vmem>>, %arg6: memref<30xf32, #tpu.memory_space<vmem>>, %arg7: memref<3x128xf32, #tpu.memory_space<vmem>>, %arg8: memref<!tpu.dma_semaphore, #tpu.memory_space<semaphore_mem>>, %arg9: memref<!tpu.dma_semaphore, #tpu.memory_space<semaphore_mem>>, %arg10: memref<!tpu.dma_semaphore, #tpu.memory_space<semaphore_mem>>, %arg11: memref<!tpu.dma_semaphore, #tpu.memory_space<semaphore_mem>>) attributes {dimension_semantics = [#tpu.dimension_semantics<core_parallel>, #tpu.dimension_semantics<subcore_parallel>], iteration_bounds = array<i64: 2, 16>, scalar_prefetch = 0 : i64, scratch_operands = 7 : i64, tpu.core_type = #tpu.core_type<sc_vector_subcore>, window_params = [{transform_indices = #map}, {transform_indices = #map}, {transform_indices = #map}]} {
    %mul3A = arith.constant 2 : i32
    %mul3A_0 = arith.muli %arg1, %mul3A : i32
    %add3A = arith.addi %mul3A_0, %arg0 : i32
    %mul3A_1 = arith.constant 2 : i32
    %mul3A_2 = arith.muli %add3A, %mul3A_1 : i32
    tpu.enqueue_dma source(%arg3 : memref<30xf32, #tpu.memory_space<hbm>>) target(%arg6 : memref<30xf32, #tpu.memory_space<vmem>>) target_semaphore(%arg8 : memref<!tpu.dma_semaphore, #tpu.memory_space<semaphore_mem>>)
    %add3A_3 = arith.constant 0 : i32
    %add3A_4 = arith.addi %mul3A_2, %add3A_3 : i32
    %mul3A_5 = arith.constant 8 : i32
    %mul3A_6 = arith.muli %add3A_4, %mul3A_5 : i32
    %mul3A_7 = arith.constant 512 : i32
    %mul3A_8 = arith.muli %mul3A_6, %mul3A_7 : i32
    %dma_start3A = arith.constant 0 : i32
    %dma_start3A_9 = arith.constant 0 : i32
    %dma_start3A_10 = tpu.memref_slice %arg5[%dma_start3A, %dma_start3A_9] : memref<2x512xi32, #tpu.memory_space<vmem>> -> memref<1x512xi32, #tpu.memory_space<vmem>>
    %dma_start3A_11 = tpu.memref_squeeze %dma_start3A_10 : memref<1x512xi32, #tpu.memory_space<vmem>> -> memref<512xi32, #tpu.memory_space<vmem>>
    %dma_start3A_12 = tpu.memref_slice %arg2[%mul3A_8] : memref<262144xi32, #tpu.memory_space<hbm>> -> memref<512xi32, #tpu.memory_space<hbm>>
    %dma_start3A_13 = arith.constant 0 : i32
    %dma_start3A_14 = tpu.memref_slice %arg5[%dma_start3A, %dma_start3A_13] : memref<2x512xi32, #tpu.memory_space<vmem>> -> memref<1x512xi32, #tpu.memory_space<vmem>>
    %dma_start3A_15 = tpu.memref_squeeze %dma_start3A_14 : memref<1x512xi32, #tpu.memory_space<vmem>> -> memref<512xi32, #tpu.memory_space<vmem>>
    %dma_start3A_16 = tpu.memref_slice %arg2[%mul3A_8] : memref<262144xi32, #tpu.memory_space<hbm>> -> memref<512xi32, #tpu.memory_space<hbm>>
    tpu.enqueue_dma source(%dma_start3A_16 : memref<512xi32, #tpu.memory_space<hbm>>) target(%dma_start3A_15 : memref<512xi32, #tpu.memory_space<vmem>>) target_semaphore(%arg9 : memref<!tpu.dma_semaphore, #tpu.memory_space<semaphore_mem>>)
    %add3A_17 = arith.constant 1 : i32
    %add3A_18 = arith.addi %mul3A_2, %add3A_17 : i32
    %mul3A_19 = arith.constant 8 : i32
    %mul3A_20 = arith.muli %add3A_18, %mul3A_19 : i32
    %mul3A_21 = arith.constant 512 : i32
    %mul3A_22 = arith.muli %mul3A_20, %mul3A_21 : i32
    %dma_start3A_23 = arith.constant 1 : i32
    %dma_start3A_24 = arith.constant 0 : i32
    %dma_start3A_25 = tpu.memref_slice %arg5[%dma_start3A_23, %dma_start3A_24] : memref<2x512xi32, #tpu.memory_space<vmem>> -> memref<1x512xi32, #tpu.memory_space<vmem>>
    %dma_start3A_26 = tpu.memref_squeeze %dma_start3A_25 : memref<1x512xi32, #tpu.memory_space<vmem>> -> memref<512xi32, #tpu.memory_space<vmem>>
    %dma_start3A_27 = tpu.memref_slice %arg2[%mul3A_22] : memref<262144xi32, #tpu.memory_space<hbm>> -> memref<512xi32, #tpu.memory_space<hbm>>
    %dma_start3A_28 = arith.constant 0 : i32
    %dma_start3A_29 = tpu.memref_slice %arg5[%dma_start3A_23, %dma_start3A_28] : memref<2x512xi32, #tpu.memory_space<vmem>> -> memref<1x512xi32, #tpu.memory_space<vmem>>
    %dma_start3A_30 = tpu.memref_squeeze %dma_start3A_29 : memref<1x512xi32, #tpu.memory_space<vmem>> -> memref<512xi32, #tpu.memory_space<vmem>>
    %dma_start3A_31 = tpu.memref_slice %arg2[%mul3A_22] : memref<262144xi32, #tpu.memory_space<hbm>> -> memref<512xi32, #tpu.memory_space<hbm>>
    tpu.enqueue_dma source(%dma_start3A_31 : memref<512xi32, #tpu.memory_space<hbm>>) target(%dma_start3A_30 : memref<512xi32, #tpu.memory_space<vmem>>) target_semaphore(%arg10 : memref<!tpu.dma_semaphore, #tpu.memory_space<semaphore_mem>>)
    tpu.wait_dma2 semaphore(%arg8 : memref<!tpu.dma_semaphore, #tpu.memory_space<semaphore_mem>>) src(%arg3 : memref<30xf32, #tpu.memory_space<hbm>>) dst(%arg6 : memref<30xf32, #tpu.memory_space<vmem>>)
    %dma_wait3A = arith.constant 0 : i32
    %dma_wait3A_32 = arith.constant 0 : i32
    %dma_wait3A_33 = tpu.memref_slice %arg5[%dma_wait3A, %dma_wait3A_32] : memref<2x512xi32, #tpu.memory_space<vmem>> -> memref<1x512xi32, #tpu.memory_space<vmem>>
    %dma_wait3A_34 = tpu.memref_squeeze %dma_wait3A_33 : memref<1x512xi32, #tpu.memory_space<vmem>> -> memref<512xi32, #tpu.memory_space<vmem>>
    %dma_wait3A_35 = tpu.memref_slice %arg2[%mul3A_8] : memref<262144xi32, #tpu.memory_space<hbm>> -> memref<512xi32, #tpu.memory_space<hbm>>
    %dma_wait3A_36 = arith.constant 0 : i32
    %dma_wait3A_37 = tpu.memref_slice %arg5[%dma_wait3A, %dma_wait3A_36] : memref<2x512xi32, #tpu.memory_space<vmem>> -> memref<1x512xi32, #tpu.memory_space<vmem>>
    %dma_wait3A_38 = tpu.memref_squeeze %dma_wait3A_37 : memref<1x512xi32, #tpu.memory_space<vmem>> -> memref<512xi32, #tpu.memory_space<vmem>>
    %dma_wait3A_39 = tpu.memref_slice %arg2[%mul3A_8] : memref<262144xi32, #tpu.memory_space<hbm>> -> memref<512xi32, #tpu.memory_space<hbm>>
    tpu.wait_dma2 semaphore(%arg9 : memref<!tpu.dma_semaphore, #tpu.memory_space<semaphore_mem>>) src(%dma_wait3A_39 : memref<512xi32, #tpu.memory_space<hbm>>) dst(%dma_wait3A_38 : memref<512xi32, #tpu.memory_space<vmem>>)
    %broadcast_in_dim3A = arith.constant 0 : i32
    %broadcast_in_dim3A_40 = vector.broadcast %broadcast_in_dim3A : i32 to vector<16xi32>
    %iota3A = tpu.iota {dimensions = array<i32: 0>} : vector<16xi32>
    %mul3A_41 = arith.constant 8 : i32
    %mul3A_42 = vector.broadcast %mul3A_41 : i32 to vector<16xi32>
    %mul3A_43 = arith.muli %iota3A, %mul3A_42 : vector<16xi32>
    %add3A_44 = arith.constant 0 : i32
    %add3A_45 = vector.broadcast %add3A_44 : i32 to vector<16xi32>
    %add3A_46 = arith.addi %mul3A_43, %add3A_45 : vector<16xi32>
    %gather3A = tpu.vector_load_idx %arg5[%broadcast_in_dim3A_40, %add3A_46] : memref<2x512xi32, #tpu.memory_space<vmem>>[vector<16xi32>, vector<16xi32>], vector<16xi32>,
    %mul3A_47 = arith.constant 3 : i32
    %mul3A_48 = vector.broadcast %mul3A_47 : i32 to vector<16xi32>
    %mul3A_49 = arith.muli %gather3A, %mul3A_48 : vector<16xi32>
    %add3A_50 = arith.constant 0 : i32
    %add3A_51 = vector.broadcast %add3A_50 : i32 to vector<16xi32>
    %add3A_52 = arith.addi %mul3A_49, %add3A_51 : vector<16xi32>
    %gather3A_53 = tpu.vector_load_idx %arg6[%add3A_52] : memref<30xf32, #tpu.memory_space<vmem>>[vector<16xi32>], vector<16xf32>,
    %swap3A = arith.constant 0 : i32
    %swap3A_54 = arith.index_cast %swap3A : i32 to index
    %swap3A_55 = arith.constant 0 : index
    %swap3A_56 = tpu.vector_load %arg7[%swap3A_54, %swap3A_55] {strides = array<i32>} : memref<3x128xf32, #tpu.memory_space<vmem>>, vector<16xf32>,
    tpu.vector_store %arg7[%swap3A_54, %swap3A_55], %gather3A_53 {strides = array<i32>} : memref<3x128xf32, #tpu.memory_space<vmem>>, vector<16xf32>,
    %add3A_57 = arith.constant 1 : i32
    %add3A_58 = vector.broadcast %add3A_57 : i32 to vector<16xi32>
    %add3A_59 = arith.addi %mul3A_49, %add3A_58 : vector<16xi32>
    %gather3A_60 = tpu.vector_load_idx %arg6[%add3A_59] : memref<30xf32, #tpu.memory_space<vmem>>[vector<16xi32>], vector<16xf32>,
    %swap3A_61 = arith.constant 1 : i32
    %swap3A_62 = arith.index_cast %swap3A_61 : i32 to index
    %swap3A_63 = arith.constant 0 : index
    %swap3A_64 = tpu.vector_load %arg7[%swap3A_62, %swap3A_63] {strides = array<i32>} : memref<3x128xf32, #tpu.memory_space<vmem>>, vector<16xf32>,
    tpu.vector_store %arg7[%swap3A_62, %swap3A_63], %gather3A_60 {strides = array<i32>} : memref<3x128xf32, #tpu.memory_space<vmem>>, vector<16xf32>,
    %add3A_65 = arith.constant 2 : i32
    %add3A_66 = vector.broadcast %add3A_65 : i32 to vector<16xi32>
    %add3A_67 = arith.addi %mul3A_49, %add3A_66 : vector<16xi32>
    %gather3A_68 = tpu.vector_load_idx %arg6[%add3A_67] : memref<30xf32, #tpu.memory_space<vmem>>[vector<16xi32>], vector<16xf32>,
    %swap3A_69 = arith.constant 2 : i32
    %swap3A_70 = arith.index_cast %swap3A_69 : i32 to index
    %swap3A_71 = arith.constant 0 : index
    %swap3A_72 = tpu.vector_load %arg7[%swap3A_70, %swap3A_71] {strides = array<i32>} : memref<3x128xf32, #tpu.memory_space<vmem>>, vector<16xf32>,
    tpu.vector_store %arg7[%swap3A_70, %swap3A_71], %gather3A_68 {strides = array<i32>} : memref<3x128xf32, #tpu.memory_space<vmem>>, vector<16xf32>,
    %iota3A_73 = tpu.iota {dimensions = array<i32: 0>} : vector<16xi32>
    %mul3A_74 = arith.constant 8 : i32
    %mul3A_75 = vector.broadcast %mul3A_74 : i32 to vector<16xi32>
    %mul3A_76 = arith.muli %iota3A_73, %mul3A_75 : vector<16xi32>
    %add3A_77 = arith.constant 128 : i32
    %add3A_78 = vector.broadcast %add3A_77 : i32 to vector<16xi32>
    %add3A_79 = arith.addi %mul3A_76, %add3A_78 : vector<16xi32>
    %gather3A_80 = tpu.vector_load_idx %arg5[%broadcast_in_dim3A_40, %add3A_79] : memref<2x512xi32, #tpu.memory_space<vmem>>[vector<16xi32>, vector<16xi32>], vector<16xi32>,
    %mul3A_81 = arith.constant 3 : i32
    %mul3A_82 = vector.broadcast %mul3A_81 : i32 to vector<16xi32>
    %mul3A_83 = arith.muli %gather3A_80, %mul3A_82 : vector<16xi32>
    %add3A_84 = arith.constant 0 : i32
    %add3A_85 = vector.broadcast %add3A_84 : i32 to vector<16xi32>
    %add3A_86 = arith.addi %mul3A_83, %add3A_85 : vector<16xi32>
    %gather3A_87 = tpu.vector_load_idx %arg6[%add3A_86] : memref<30xf32, #tpu.memory_space<vmem>>[vector<16xi32>], vector<16xf32>,
    %swap3A_88 = arith.constant 0 : i32
    %swap3A_89 = arith.index_cast %swap3A_88 : i32 to index
    %swap3A_90 = arith.constant 16 : index
    %swap3A_91 = tpu.vector_load %arg7[%swap3A_89, %swap3A_90] {strides = array<i32>} : memref<3x128xf32, #tpu.memory_space<vmem>>, vector<16xf32>,
    tpu.vector_store %arg7[%swap3A_89, %swap3A_90], %gather3A_87 {strides = array<i32>} : memref<3x128xf32, #tpu.memory_space<vmem>>, vector<16xf32>,
    %add3A_92 = arith.constant 1 : i32
    %add3A_93 = vector.broadcast %add3A_92 : i32 to vector<16xi32>
    %add3A_94 = arith.addi %mul3A_83, %add3A_93 : vector<16xi32>
    %gather3A_95 = tpu.vector_load_idx %arg6[%add3A_94] : memref<30xf32, #tpu.memory_space<vmem>>[vector<16xi32>], vector<16xf32>,
    %swap3A_96 = arith.constant 1 : i32
    %swap3A_97 = arith.index_cast %swap3A_96 : i32 to index
    %swap3A_98 = arith.constant 16 : index
    %swap3A_99 = tpu.vector_load %arg7[%swap3A_97, %swap3A_98] {strides = array<i32>} : memref<3x128xf32, #tpu.memory_space<vmem>>, vector<16xf32>,
    tpu.vector_store %arg7[%swap3A_97, %swap3A_98], %gather3A_95 {strides = array<i32>} : memref<3x128xf32, #tpu.memory_space<vmem>>, vector<16xf32>,
    %add3A_100 = arith.constant 2 : i32
    %add3A_101 = vector.broadcast %add3A_100 : i32 to vector<16xi32>
    %add3A_102 = arith.addi %mul3A_83, %add3A_101 : vector<16xi32>
    %gather3A_103 = tpu.vector_load_idx %arg6[%add3A_102] : memref<30xf32, #tpu.memory_space<vmem>>[vector<16xi32>], vector<16xf32>,
    %swap3A_104 = arith.constant 2 : i32
    %swap3A_105 = arith.index_cast %swap3A_104 : i32 to index
    %swap3A_106 = arith.constant 16 : index
    %swap3A_107 = tpu.vector_load %arg7[%swap3A_105, %swap3A_106] {strides = array<i32>} : memref<3x128xf32, #tpu.memory_space<vmem>>, vector<16xf32>,
    tpu.vector_store %arg7[%swap3A_105, %swap3A_106], %gather3A_103 {strides = array<i32>} : memref<3x128xf32, #tpu.memory_space<vmem>>, vector<16xf32>,
    %iota3A_108 = tpu.iota {dimensions = array<i32: 0>} : vector<16xi32>
    %mul3A_109 = arith.constant 8 : i32
    %mul3A_110 = vector.broadcast %mul3A_109 : i32 to vector<16xi32>
    %mul3A_111 = arith.muli %iota3A_108, %mul3A_110 : vector<16xi32>
    %add3A_112 = arith.constant 256 : i32
    %add3A_113 = vector.broadcast %add3A_112 : i32 to vector<16xi32>
    %add3A_114 = arith.addi %mul3A_111, %add3A_113 : vector<16xi32>
    %gather3A_115 = tpu.vector_load_idx %arg5[%broadcast_in_dim3A_40, %add3A_114] : memref<2x512xi32, #tpu.memory_space<vmem>>[vector<16xi32>, vector<16xi32>], vector<16xi32>,
    %mul3A_116 = arith.constant 3 : i32
    %mul3A_117 = vector.broadcast %mul3A_116 : i32 to vector<16xi32>
    %mul3A_118 = arith.muli %gather3A_115, %mul3A_117 : vector<16xi32>
    %add3A_119 = arith.constant 0 : i32
    %add3A_120 = vector.broadcast %add3A_119 : i32 to vector<16xi32>
    %add3A_121 = arith.addi %mul3A_118, %add3A_120 : vector<16xi32>
    %gather3A_122 = tpu.vector_load_idx %arg6[%add3A_121] : memref<30xf32, #tpu.memory_space<vmem>>[vector<16xi32>], vector<16xf32>,
    %swap3A_123 = arith.constant 0 : i32
    %swap3A_124 = arith.index_cast %swap3A_123 : i32 to index
    %swap3A_125 = arith.constant 32 : index
    %swap3A_126 = tpu.vector_load %arg7[%swap3A_124, %swap3A_125] {strides = array<i32>} : memref<3x128xf32, #tpu.memory_space<vmem>>, vector<16xf32>,
    tpu.vector_store %arg7[%swap3A_124, %swap3A_125], %gather3A_122 {strides = array<i32>} : memref<3x128xf32, #tpu.memory_space<vmem>>, vector<16xf32>,
    %add3A_127 = arith.constant 1 : i32
    %add3A_128 = vector.broadcast %add3A_127 : i32 to vector<16xi32>
    %add3A_129 = arith.addi %mul3A_118, %add3A_128 : vector<16xi32>
    %gather3A_130 = tpu.vector_load_idx %arg6[%add3A_129] : memref<30xf32, #tpu.memory_space<vmem>>[vector<16xi32>], vector<16xf32>,
    %swap3A_131 = arith.constant 1 : i32
    %swap3A_132 = arith.index_cast %swap3A_131 : i32 to index
    %swap3A_133 = arith.constant 32 : index
    %swap3A_134 = tpu.vector_load %arg7[%swap3A_132, %swap3A_133] {strides = array<i32>} : memref<3x128xf32, #tpu.memory_space<vmem>>, vector<16xf32>,
    tpu.vector_store %arg7[%swap3A_132, %swap3A_133], %gather3A_130 {strides = array<i32>} : memref<3x128xf32, #tpu.memory_space<vmem>>, vector<16xf32>,
    %add3A_135 = arith.constant 2 : i32
    %add3A_136 = vector.broadcast %add3A_135 : i32 to vector<16xi32>
    %add3A_137 = arith.addi %mul3A_118, %add3A_136 : vector<16xi32>
    %gather3A_138 = tpu.vector_load_idx %arg6[%add3A_137] : memref<30xf32, #tpu.memory_space<vmem>>[vector<16xi32>], vector<16xf32>,
    %swap3A_139 = arith.constant 2 : i32
    %swap3A_140 = arith.index_cast %swap3A_139 : i32 to index
    %swap3A_141 = arith.constant 32 : index
    %swap3A_142 = tpu.vector_load %arg7[%swap3A_140, %swap3A_141] {strides = array<i32>} : memref<3x128xf32, #tpu.memory_space<vmem>>, vector<16xf32>,
    tpu.vector_store %arg7[%swap3A_140, %swap3A_141], %gather3A_138 {strides = array<i32>} : memref<3x128xf32, #tpu.memory_space<vmem>>, vector<16xf32>,
    %iota3A_143 = tpu.iota {dimensions = array<i32: 0>} : vector<16xi32>
    %mul3A_144 = arith.constant 8 : i32
    %mul3A_145 = vector.broadcast %mul3A_144 : i32 to vector<16xi32>
    %mul3A_146 = arith.muli %iota3A_143, %mul3A_145 : vector<16xi32>
    %add3A_147 = arith.constant 384 : i32
    %add3A_148 = vector.broadcast %add3A_147 : i32 to vector<16xi32>
    %add3A_149 = arith.addi %mul3A_146, %add3A_148 : vector<16xi32>
    %gather3A_150 = tpu.vector_load_idx %arg5[%broadcast_in_dim3A_40, %add3A_149] : memref<2x512xi32, #tpu.memory_space<vmem>>[vector<16xi32>, vector<16xi32>], vector<16xi32>,
    %mul3A_151 = arith.constant 3 : i32
    %mul3A_152 = vector.broadcast %mul3A_151 : i32 to vector<16xi32>
    %mul3A_153 = arith.muli %gather3A_150, %mul3A_152 : vector<16xi32>
    %add3A_154 = arith.constant 0 : i32
    %add3A_155 = vector.broadcast %add3A_154 : i32 to vector<16xi32>
    %add3A_156 = arith.addi %mul3A_153, %add3A_155 : vector<16xi32>
    %gather3A_157 = tpu.vector_load_idx %arg6[%add3A_156] : memref<30xf32, #tpu.memory_space<vmem>>[vector<16xi32>], vector<16xf32>,
    %swap3A_158 = arith.constant 0 : i32
    %swap3A_159 = arith.index_cast %swap3A_158 : i32 to index
    %swap3A_160 = arith.constant 48 : index
    %swap3A_161 = tpu.vector_load %arg7[%swap3A_159, %swap3A_160] {strides = array<i32>} : memref<3x128xf32, #tpu.memory_space<vmem>>, vector<16xf32>,
    tpu.vector_store %arg7[%swap3A_159, %swap3A_160], %gather3A_157 {strides = array<i32>} : memref<3x128xf32, #tpu.memory_space<vmem>>, vector<16xf32>,
    %add3A_162 = arith.constant 1 : i32
    %add3A_163 = vector.broadcast %add3A_162 : i32 to vector<16xi32>
    %add3A_164 = arith.addi %mul3A_153, %add3A_163 : vector<16xi32>
    %gather3A_165 = tpu.vector_load_idx %arg6[%add3A_164] : memref<30xf32, #tpu.memory_space<vmem>>[vector<16xi32>], vector<16xf32>,
    %swap3A_166 = arith.constant 1 : i32
    %swap3A_167 = arith.index_cast %swap3A_166 : i32 to index
    %swap3A_168 = arith.constant 48 : index
    %swap3A_169 = tpu.vector_load %arg7[%swap3A_167, %swap3A_168] {strides = array<i32>} : memref<3x128xf32, #tpu.memory_space<vmem>>, vector<16xf32>,
    tpu.vector_store %arg7[%swap3A_167, %swap3A_168], %gather3A_165 {strides = array<i32>} : memref<3x128xf32, #tpu.memory_space<vmem>>, vector<16xf32>,
    %add3A_170 = arith.constant 2 : i32
    %add3A_171 = vector.broadcast %add3A_170 : i32 to vector<16xi32>
    %add3A_172 = arith.addi %mul3A_153, %add3A_171 : vector<16xi32>
    %gather3A_173 = tpu.vector_load_idx %arg6[%add3A_172] : memref<30xf32, #tpu.memory_space<vmem>>[vector<16xi32>], vector<16xf32>,
    %swap3A_174 = arith.constant 2 : i32
    %swap3A_175 = arith.index_cast %swap3A_174 : i32 to index
    %swap3A_176 = arith.constant 48 : index
    %swap3A_177 = tpu.vector_load %arg7[%swap3A_175, %swap3A_176] {strides = array<i32>} : memref<3x128xf32, #tpu.memory_space<vmem>>, vector<16xf32>,
    tpu.vector_store %arg7[%swap3A_175, %swap3A_176], %gather3A_173 {strides = array<i32>} : memref<3x128xf32, #tpu.memory_space<vmem>>, vector<16xf32>,
    %add3A_178 = arith.constant 0 : i32
    %add3A_179 = arith.addi %mul3A_2, %add3A_178 : i32
    %mul3A_180 = arith.constant 64 : i32
    %mul3A_181 = arith.muli %add3A_179, %mul3A_180 : i32
    %add3A_182 = arith.constant 0 : i32
    %add3A_183 = arith.addi %add3A_182, %mul3A_181 : i32
    %dma_start3A_184 = arith.constant 0 : i32
    %dma_start3A_185 = arith.constant 0 : i32
    %dma_start3A_186 = tpu.memref_slice %arg7[%dma_start3A_184, %dma_start3A_185] : memref<3x128xf32, #tpu.memory_space<vmem>> -> memref<1x64xf32, #tpu.memory_space<vmem>>
    %dma_start3A_187 = tpu.memref_squeeze %dma_start3A_186 : memref<1x64xf32, #tpu.memory_space<vmem>> -> memref<64xf32, #tpu.memory_space<vmem>>
    %dma_start3A_188 = tpu.memref_slice %arg4[%add3A_183] : memref<12288xf32, #tpu.memory_space<hbm>> -> memref<64xf32, #tpu.memory_space<hbm>>
    %dma_start3A_189 = tpu.memref_slice %arg4[%add3A_183] : memref<12288xf32, #tpu.memory_space<hbm>> -> memref<64xf32, #tpu.memory_space<hbm>>
    %dma_start3A_190 = arith.constant 0 : i32
    %dma_start3A_191 = tpu.memref_slice %arg7[%dma_start3A_184, %dma_start3A_190] : memref<3x128xf32, #tpu.memory_space<vmem>> -> memref<1x64xf32, #tpu.memory_space<vmem>>
    %dma_start3A_192 = tpu.memref_squeeze %dma_start3A_191 : memref<1x64xf32, #tpu.memory_space<vmem>> -> memref<64xf32, #tpu.memory_space<vmem>>
    tpu.enqueue_dma source(%dma_start3A_192 : memref<64xf32, #tpu.memory_space<vmem>>) target(%dma_start3A_189 : memref<64xf32, #tpu.memory_space<hbm>>) target_semaphore(%arg11 : memref<!tpu.dma_semaphore, #tpu.memory_space<semaphore_mem>>)
    %add3A_193 = arith.constant 0 : i32
    %add3A_194 = arith.addi %mul3A_2, %add3A_193 : i32
    %mul3A_195 = arith.constant 64 : i32
    %mul3A_196 = arith.muli %add3A_194, %mul3A_195 : i32
    %add3A_197 = arith.constant 4096 : i32
    %add3A_198 = arith.addi %add3A_197, %mul3A_196 : i32
    %dma_start3A_199 = arith.constant 1 : i32
    %dma_start3A_200 = arith.constant 0 : i32
    %dma_start3A_201 = tpu.memref_slice %arg7[%dma_start3A_199, %dma_start3A_200] : memref<3x128xf32, #tpu.memory_space<vmem>> -> memref<1x64xf32, #tpu.memory_space<vmem>>
    %dma_start3A_202 = tpu.memref_squeeze %dma_start3A_201 : memref<1x64xf32, #tpu.memory_space<vmem>> -> memref<64xf32, #tpu.memory_space<vmem>>
    %dma_start3A_203 = tpu.memref_slice %arg4[%add3A_198] : memref<12288xf32, #tpu.memory_space<hbm>> -> memref<64xf32, #tpu.memory_space<hbm>>
    %dma_start3A_204 = tpu.memref_slice %arg4[%add3A_198] : memref<12288xf32, #tpu.memory_space<hbm>> -> memref<64xf32, #tpu.memory_space<hbm>>
    %dma_start3A_205 = arith.constant 0 : i32
    %dma_start3A_206 = tpu.memref_slice %arg7[%dma_start3A_199, %dma_start3A_205] : memref<3x128xf32, #tpu.memory_space<vmem>> -> memref<1x64xf32, #tpu.memory_space<vmem>>
    %dma_start3A_207 = tpu.memref_squeeze %dma_start3A_206 : memref<1x64xf32, #tpu.memory_space<vmem>> -> memref<64xf32, #tpu.memory_space<vmem>>
    tpu.enqueue_dma source(%dma_start3A_207 : memref<64xf32, #tpu.memory_space<vmem>>) target(%dma_start3A_204 : memref<64xf32, #tpu.memory_space<hbm>>) target_semaphore(%arg11 : memref<!tpu.dma_semaphore, #tpu.memory_space<semaphore_mem>>)
    %add3A_208 = arith.constant 0 : i32
    %add3A_209 = arith.addi %mul3A_2, %add3A_208 : i32
    %mul3A_210 = arith.constant 64 : i32
    %mul3A_211 = arith.muli %add3A_209, %mul3A_210 : i32
    %add3A_212 = arith.constant 8192 : i32
    %add3A_213 = arith.addi %add3A_212, %mul3A_211 : i32
    %dma_start3A_214 = arith.constant 2 : i32
    %dma_start3A_215 = arith.constant 0 : i32
    %dma_start3A_216 = tpu.memref_slice %arg7[%dma_start3A_214, %dma_start3A_215] : memref<3x128xf32, #tpu.memory_space<vmem>> -> memref<1x64xf32, #tpu.memory_space<vmem>>
    %dma_start3A_217 = tpu.memref_squeeze %dma_start3A_216 : memref<1x64xf32, #tpu.memory_space<vmem>> -> memref<64xf32, #tpu.memory_space<vmem>>
    %dma_start3A_218 = tpu.memref_slice %arg4[%add3A_213] : memref<12288xf32, #tpu.memory_space<hbm>> -> memref<64xf32, #tpu.memory_space<hbm>>
    %dma_start3A_219 = tpu.memref_slice %arg4[%add3A_213] : memref<12288xf32, #tpu.memory_space<hbm>> -> memref<64xf32, #tpu.memory_space<hbm>>
    %dma_start3A_220 = arith.constant 0 : i32
    %dma_start3A_221 = tpu.memref_slice %arg7[%dma_start3A_214, %dma_start3A_220] : memref<3x128xf32, #tpu.memory_space<vmem>> -> memref<1x64xf32, #tpu.memory_space<vmem>>
    %dma_start3A_222 = tpu.memref_squeeze %dma_start3A_221 : memref<1x64xf32, #tpu.memory_space<vmem>> -> memref<64xf32, #tpu.memory_space<vmem>>
    tpu.enqueue_dma source(%dma_start3A_222 : memref<64xf32, #tpu.memory_space<vmem>>) target(%dma_start3A_219 : memref<64xf32, #tpu.memory_space<hbm>>) target_semaphore(%arg11 : memref<!tpu.dma_semaphore, #tpu.memory_space<semaphore_mem>>)
    %dma_wait3A_223 = arith.constant 1 : i32
    %dma_wait3A_224 = arith.constant 0 : i32
    %dma_wait3A_225 = tpu.memref_slice %arg5[%dma_wait3A_223, %dma_wait3A_224] : memref<2x512xi32, #tpu.memory_space<vmem>> -> memref<1x512xi32, #tpu.memory_space<vmem>>
    %dma_wait3A_226 = tpu.memref_squeeze %dma_wait3A_225 : memref<1x512xi32, #tpu.memory_space<vmem>> -> memref<512xi32, #tpu.memory_space<vmem>>
    %dma_wait3A_227 = tpu.memref_slice %arg2[%mul3A_22] : memref<262144xi32, #tpu.memory_space<hbm>> -> memref<512xi32, #tpu.memory_space<hbm>>
    %dma_wait3A_228 = arith.constant 0 : i32
    %dma_wait3A_229 = tpu.memref_slice %arg5[%dma_wait3A_223, %dma_wait3A_228] : memref<2x512xi32, #tpu.memory_space<vmem>> -> memref<1x512xi32, #tpu.memory_space<vmem>>
    %dma_wait3A_230 = tpu.memref_squeeze %dma_wait3A_229 : memref<1x512xi32, #tpu.memory_space<vmem>> -> memref<512xi32, #tpu.memory_space<vmem>>
    %dma_wait3A_231 = tpu.memref_slice %arg2[%mul3A_22] : memref<262144xi32, #tpu.memory_space<hbm>> -> memref<512xi32, #tpu.memory_space<hbm>>
    tpu.wait_dma2 semaphore(%arg10 : memref<!tpu.dma_semaphore, #tpu.memory_space<semaphore_mem>>) src(%dma_wait3A_231 : memref<512xi32, #tpu.memory_space<hbm>>) dst(%dma_wait3A_230 : memref<512xi32, #tpu.memory_space<vmem>>)
    %broadcast_in_dim3A_232 = arith.constant 1 : i32
    %broadcast_in_dim3A_233 = vector.broadcast %broadcast_in_dim3A_232 : i32 to vector<16xi32>
    %iota3A_234 = tpu.iota {dimensions = array<i32: 0>} : vector<16xi32>
    %mul3A_235 = arith.constant 8 : i32
    %mul3A_236 = vector.broadcast %mul3A_235 : i32 to vector<16xi32>
    %mul3A_237 = arith.muli %iota3A_234, %mul3A_236 : vector<16xi32>
    %add3A_238 = arith.constant 0 : i32
    %add3A_239 = vector.broadcast %add3A_238 : i32 to vector<16xi32>
    %add3A_240 = arith.addi %mul3A_237, %add3A_239 : vector<16xi32>
    %gather3A_241 = tpu.vector_load_idx %arg5[%broadcast_in_dim3A_233, %add3A_240] : memref<2x512xi32, #tpu.memory_space<vmem>>[vector<16xi32>, vector<16xi32>], vector<16xi32>,
    %mul3A_242 = arith.constant 3 : i32
    %mul3A_243 = vector.broadcast %mul3A_242 : i32 to vector<16xi32>
    %mul3A_244 = arith.muli %gather3A_241, %mul3A_243 : vector<16xi32>
    %add3A_245 = arith.constant 0 : i32
    %add3A_246 = vector.broadcast %add3A_245 : i32 to vector<16xi32>
    %add3A_247 = arith.addi %mul3A_244, %add3A_246 : vector<16xi32>
    %gather3A_248 = tpu.vector_load_idx %arg6[%add3A_247] : memref<30xf32, #tpu.memory_space<vmem>>[vector<16xi32>], vector<16xf32>,
    %swap3A_249 = arith.constant 0 : i32
    %swap3A_250 = arith.index_cast %swap3A_249 : i32 to index
    %swap3A_251 = arith.constant 64 : index
    %swap3A_252 = tpu.vector_load %arg7[%swap3A_250, %swap3A_251] {strides = array<i32>} : memref<3x128xf32, #tpu.memory_space<vmem>>, vector<16xf32>,
    tpu.vector_store %arg7[%swap3A_250, %swap3A_251], %gather3A_248 {strides = array<i32>} : memref<3x128xf32, #tpu.memory_space<vmem>>, vector<16xf32>,
    %add3A_253 = arith.constant 1 : i32
    %add3A_254 = vector.broadcast %add3A_253 : i32 to vector<16xi32>
    %add3A_255 = arith.addi %mul3A_244, %add3A_254 : vector<16xi32>
    %gather3A_256 = tpu.vector_load_idx %arg6[%add3A_255] : memref<30xf32, #tpu.memory_space<vmem>>[vector<16xi32>], vector<16xf32>,
    %swap3A_257 = arith.constant 1 : i32
    %swap3A_258 = arith.index_cast %swap3A_257 : i32 to index
    %swap3A_259 = arith.constant 64 : index
    %swap3A_260 = tpu.vector_load %arg7[%swap3A_258, %swap3A_259] {strides = array<i32>} : memref<3x128xf32, #tpu.memory_space<vmem>>, vector<16xf32>,
    tpu.vector_store %arg7[%swap3A_258, %swap3A_259], %gather3A_256 {strides = array<i32>} : memref<3x128xf32, #tpu.memory_space<vmem>>, vector<16xf32>,
    %add3A_261 = arith.constant 2 : i32
    %add3A_262 = vector.broadcast %add3A_261 : i32 to vector<16xi32>
    %add3A_263 = arith.addi %mul3A_244, %add3A_262 : vector<16xi32>
    %gather3A_264 = tpu.vector_load_idx %arg6[%add3A_263] : memref<30xf32, #tpu.memory_space<vmem>>[vector<16xi32>], vector<16xf32>,
    %swap3A_265 = arith.constant 2 : i32
    %swap3A_266 = arith.index_cast %swap3A_265 : i32 to index
    %swap3A_267 = arith.constant 64 : index
    %swap3A_268 = tpu.vector_load %arg7[%swap3A_266, %swap3A_267] {strides = array<i32>} : memref<3x128xf32, #tpu.memory_space<vmem>>, vector<16xf32>,
    tpu.vector_store %arg7[%swap3A_266, %swap3A_267], %gather3A_264 {strides = array<i32>} : memref<3x128xf32, #tpu.memory_space<vmem>>, vector<16xf32>,
    %iota3A_269 = tpu.iota {dimensions = array<i32: 0>} : vector<16xi32>
    %mul3A_270 = arith.constant 8 : i32
    %mul3A_271 = vector.broadcast %mul3A_270 : i32 to vector<16xi32>
    %mul3A_272 = arith.muli %iota3A_269, %mul3A_271 : vector<16xi32>
    %add3A_273 = arith.constant 128 : i32
    %add3A_274 = vector.broadcast %add3A_273 : i32 to vector<16xi32>
    %add3A_275 = arith.addi %mul3A_272, %add3A_274 : vector<16xi32>
    %gather3A_276 = tpu.vector_load_idx %arg5[%broadcast_in_dim3A_233, %add3A_275] : memref<2x512xi32, #tpu.memory_space<vmem>>[vector<16xi32>, vector<16xi32>], vector<16xi32>,
    %mul3A_277 = arith.constant 3 : i32
    %mul3A_278 = vector.broadcast %mul3A_277 : i32 to vector<16xi32>
    %mul3A_279 = arith.muli %gather3A_276, %mul3A_278 : vector<16xi32>
    %add3A_280 = arith.constant 0 : i32
    %add3A_281 = vector.broadcast %add3A_280 : i32 to vector<16xi32>
    %add3A_282 = arith.addi %mul3A_279, %add3A_281 : vector<16xi32>
    %gather3A_283 = tpu.vector_load_idx %arg6[%add3A_282] : memref<30xf32, #tpu.memory_space<vmem>>[vector<16xi32>], vector<16xf32>,
    %swap3A_284 = arith.constant 0 : i32
    %swap3A_285 = arith.index_cast %swap3A_284 : i32 to index
    %swap3A_286 = arith.constant 80 : index
    %swap3A_287 = tpu.vector_load %arg7[%swap3A_285, %swap3A_286] {strides = array<i32>} : memref<3x128xf32, #tpu.memory_space<vmem>>, vector<16xf32>,
    tpu.vector_store %arg7[%swap3A_285, %swap3A_286], %gather3A_283 {strides = array<i32>} : memref<3x128xf32, #tpu.memory_space<vmem>>, vector<16xf32>,
    %add3A_288 = arith.constant 1 : i32
    %add3A_289 = vector.broadcast %add3A_288 : i32 to vector<16xi32>
    %add3A_290 = arith.addi %mul3A_279, %add3A_289 : vector<16xi32>
    %gather3A_291 = tpu.vector_load_idx %arg6[%add3A_290] : memref<30xf32, #tpu.memory_space<vmem>>[vector<16xi32>], vector<16xf32>,
    %swap3A_292 = arith.constant 1 : i32
    %swap3A_293 = arith.index_cast %swap3A_292 : i32 to index
    %swap3A_294 = arith.constant 80 : index
    %swap3A_295 = tpu.vector_load %arg7[%swap3A_293, %swap3A_294] {strides = array<i32>} : memref<3x128xf32, #tpu.memory_space<vmem>>, vector<16xf32>,
    tpu.vector_store %arg7[%swap3A_293, %swap3A_294], %gather3A_291 {strides = array<i32>} : memref<3x128xf32, #tpu.memory_space<vmem>>, vector<16xf32>,
    %add3A_296 = arith.constant 2 : i32
    %add3A_297 = vector.broadcast %add3A_296 : i32 to vector<16xi32>
    %add3A_298 = arith.addi %mul3A_279, %add3A_297 : vector<16xi32>
    %gather3A_299 = tpu.vector_load_idx %arg6[%add3A_298] : memref<30xf32, #tpu.memory_space<vmem>>[vector<16xi32>], vector<16xf32>,
    %swap3A_300 = arith.constant 2 : i32
    %swap3A_301 = arith.index_cast %swap3A_300 : i32 to index
    %swap3A_302 = arith.constant 80 : index
    %swap3A_303 = tpu.vector_load %arg7[%swap3A_301, %swap3A_302] {strides = array<i32>} : memref<3x128xf32, #tpu.memory_space<vmem>>, vector<16xf32>,
    tpu.vector_store %arg7[%swap3A_301, %swap3A_302], %gather3A_299 {strides = array<i32>} : memref<3x128xf32, #tpu.memory_space<vmem>>, vector<16xf32>,
    %iota3A_304 = tpu.iota {dimensions = array<i32: 0>} : vector<16xi32>
    %mul3A_305 = arith.constant 8 : i32
    %mul3A_306 = vector.broadcast %mul3A_305 : i32 to vector<16xi32>
    %mul3A_307 = arith.muli %iota3A_304, %mul3A_306 : vector<16xi32>
    %add3A_308 = arith.constant 256 : i32
    %add3A_309 = vector.broadcast %add3A_308 : i32 to vector<16xi32>
    %add3A_310 = arith.addi %mul3A_307, %add3A_309 : vector<16xi32>
    %gather3A_311 = tpu.vector_load_idx %arg5[%broadcast_in_dim3A_233, %add3A_310] : memref<2x512xi32, #tpu.memory_space<vmem>>[vector<16xi32>, vector<16xi32>], vector<16xi32>,
    %mul3A_312 = arith.constant 3 : i32
    %mul3A_313 = vector.broadcast %mul3A_312 : i32 to vector<16xi32>
    %mul3A_314 = arith.muli %gather3A_311, %mul3A_313 : vector<16xi32>
    %add3A_315 = arith.constant 0 : i32
    %add3A_316 = vector.broadcast %add3A_315 : i32 to vector<16xi32>
    %add3A_317 = arith.addi %mul3A_314, %add3A_316 : vector<16xi32>
    %gather3A_318 = tpu.vector_load_idx %arg6[%add3A_317] : memref<30xf32, #tpu.memory_space<vmem>>[vector<16xi32>], vector<16xf32>,
    %swap3A_319 = arith.constant 0 : i32
    %swap3A_320 = arith.index_cast %swap3A_319 : i32 to index
    %swap3A_321 = arith.constant 96 : index
    %swap3A_322 = tpu.vector_load %arg7[%swap3A_320, %swap3A_321] {strides = array<i32>} : memref<3x128xf32, #tpu.memory_space<vmem>>, vector<16xf32>,
    tpu.vector_store %arg7[%swap3A_320, %swap3A_321], %gather3A_318 {strides = array<i32>} : memref<3x128xf32, #tpu.memory_space<vmem>>, vector<16xf32>,
    %add3A_323 = arith.constant 1 : i32
    %add3A_324 = vector.broadcast %add3A_323 : i32 to vector<16xi32>
    %add3A_325 = arith.addi %mul3A_314, %add3A_324 : vector<16xi32>
    %gather3A_326 = tpu.vector_load_idx %arg6[%add3A_325] : memref<30xf32, #tpu.memory_space<vmem>>[vector<16xi32>], vector<16xf32>,
    %swap3A_327 = arith.constant 1 : i32
    %swap3A_328 = arith.index_cast %swap3A_327 : i32 to index
    %swap3A_329 = arith.constant 96 : index
    %swap3A_330 = tpu.vector_load %arg7[%swap3A_328, %swap3A_329] {strides = array<i32>} : memref<3x128xf32, #tpu.memory_space<vmem>>, vector<16xf32>,
    tpu.vector_store %arg7[%swap3A_328, %swap3A_329], %gather3A_326 {strides = array<i32>} : memref<3x128xf32, #tpu.memory_space<vmem>>, vector<16xf32>,
    %add3A_331 = arith.constant 2 : i32
    %add3A_332 = vector.broadcast %add3A_331 : i32 to vector<16xi32>
    %add3A_333 = arith.addi %mul3A_314, %add3A_332 : vector<16xi32>
    %gather3A_334 = tpu.vector_load_idx %arg6[%add3A_333] : memref<30xf32, #tpu.memory_space<vmem>>[vector<16xi32>], vector<16xf32>,
    %swap3A_335 = arith.constant 2 : i32
    %swap3A_336 = arith.index_cast %swap3A_335 : i32 to index
    %swap3A_337 = arith.constant 96 : index
    %swap3A_338 = tpu.vector_load %arg7[%swap3A_336, %swap3A_337] {strides = array<i32>} : memref<3x128xf32, #tpu.memory_space<vmem>>, vector<16xf32>,
    tpu.vector_store %arg7[%swap3A_336, %swap3A_337], %gather3A_334 {strides = array<i32>} : memref<3x128xf32, #tpu.memory_space<vmem>>, vector<16xf32>,
    %iota3A_339 = tpu.iota {dimensions = array<i32: 0>} : vector<16xi32>
    %mul3A_340 = arith.constant 8 : i32
    %mul3A_341 = vector.broadcast %mul3A_340 : i32 to vector<16xi32>
    %mul3A_342 = arith.muli %iota3A_339, %mul3A_341 : vector<16xi32>
    %add3A_343 = arith.constant 384 : i32
    %add3A_344 = vector.broadcast %add3A_343 : i32 to vector<16xi32>
    %add3A_345 = arith.addi %mul3A_342, %add3A_344 : vector<16xi32>
    %gather3A_346 = tpu.vector_load_idx %arg5[%broadcast_in_dim3A_233, %add3A_345] : memref<2x512xi32, #tpu.memory_space<vmem>>[vector<16xi32>, vector<16xi32>], vector<16xi32>,
    %mul3A_347 = arith.constant 3 : i32
    %mul3A_348 = vector.broadcast %mul3A_347 : i32 to vector<16xi32>
    %mul3A_349 = arith.muli %gather3A_346, %mul3A_348 : vector<16xi32>
    %add3A_350 = arith.constant 0 : i32
    %add3A_351 = vector.broadcast %add3A_350 : i32 to vector<16xi32>
    %add3A_352 = arith.addi %mul3A_349, %add3A_351 : vector<16xi32>
    %gather3A_353 = tpu.vector_load_idx %arg6[%add3A_352] : memref<30xf32, #tpu.memory_space<vmem>>[vector<16xi32>], vector<16xf32>,
    %swap3A_354 = arith.constant 0 : i32
    %swap3A_355 = arith.index_cast %swap3A_354 : i32 to index
    %swap3A_356 = arith.constant 112 : index
    %swap3A_357 = tpu.vector_load %arg7[%swap3A_355, %swap3A_356] {strides = array<i32>} : memref<3x128xf32, #tpu.memory_space<vmem>>, vector<16xf32>,
    tpu.vector_store %arg7[%swap3A_355, %swap3A_356], %gather3A_353 {strides = array<i32>} : memref<3x128xf32, #tpu.memory_space<vmem>>, vector<16xf32>,
    %add3A_358 = arith.constant 1 : i32
    %add3A_359 = vector.broadcast %add3A_358 : i32 to vector<16xi32>
    %add3A_360 = arith.addi %mul3A_349, %add3A_359 : vector<16xi32>
    %gather3A_361 = tpu.vector_load_idx %arg6[%add3A_360] : memref<30xf32, #tpu.memory_space<vmem>>[vector<16xi32>], vector<16xf32>,
    %swap3A_362 = arith.constant 1 : i32
    %swap3A_363 = arith.index_cast %swap3A_362 : i32 to index
    %swap3A_364 = arith.constant 112 : index
    %swap3A_365 = tpu.vector_load %arg7[%swap3A_363, %swap3A_364] {strides = array<i32>} : memref<3x128xf32, #tpu.memory_space<vmem>>, vector<16xf32>,
    tpu.vector_store %arg7[%swap3A_363, %swap3A_364], %gather3A_361 {strides = array<i32>} : memref<3x128xf32, #tpu.memory_space<vmem>>, vector<16xf32>,
    %add3A_366 = arith.constant 2 : i32
    %add3A_367 = vector.broadcast %add3A_366 : i32 to vector<16xi32>
    %add3A_368 = arith.addi %mul3A_349, %add3A_367 : vector<16xi32>
    %gather3A_369 = tpu.vector_load_idx %arg6[%add3A_368] : memref<30xf32, #tpu.memory_space<vmem>>[vector<16xi32>], vector<16xf32>,
    %swap3A_370 = arith.constant 2 : i32
    %swap3A_371 = arith.index_cast %swap3A_370 : i32 to index
    %swap3A_372 = arith.constant 112 : index
    %swap3A_373 = tpu.vector_load %arg7[%swap3A_371, %swap3A_372] {strides = array<i32>} : memref<3x128xf32, #tpu.memory_space<vmem>>, vector<16xf32>,
    tpu.vector_store %arg7[%swap3A_371, %swap3A_372], %gather3A_369 {strides = array<i32>} : memref<3x128xf32, #tpu.memory_space<vmem>>, vector<16xf32>,
    %add3A_374 = arith.constant 1 : i32
    %add3A_375 = arith.addi %mul3A_2, %add3A_374 : i32
    %mul3A_376 = arith.constant 64 : i32
    %mul3A_377 = arith.muli %add3A_375, %mul3A_376 : i32
    %add3A_378 = arith.constant 0 : i32
    %add3A_379 = arith.addi %add3A_378, %mul3A_377 : i32
    %dma_start3A_380 = arith.constant 0 : i32
    %dma_start3A_381 = arith.constant 64 : i32
    %dma_start3A_382 = tpu.memref_slice %arg7[%dma_start3A_380, %dma_start3A_381] : memref<3x128xf32, #tpu.memory_space<vmem>> -> memref<1x64xf32, #tpu.memory_space<vmem>>
    %dma_start3A_383 = tpu.memref_squeeze %dma_start3A_382 : memref<1x64xf32, #tpu.memory_space<vmem>> -> memref<64xf32, #tpu.memory_space<vmem>>
    %dma_start3A_384 = tpu.memref_slice %arg4[%add3A_379] : memref<12288xf32, #tpu.memory_space<hbm>> -> memref<64xf32, #tpu.memory_space<hbm>>
    %dma_start3A_385 = tpu.memref_slice %arg4[%add3A_379] : memref<12288xf32, #tpu.memory_space<hbm>> -> memref<64xf32, #tpu.memory_space<hbm>>
    %dma_start3A_386 = arith.constant 64 : i32
    %dma_start3A_387 = tpu.memref_slice %arg7[%dma_start3A_380, %dma_start3A_386] : memref<3x128xf32, #tpu.memory_space<vmem>> -> memref<1x64xf32, #tpu.memory_space<vmem>>
    %dma_start3A_388 = tpu.memref_squeeze %dma_start3A_387 : memref<1x64xf32, #tpu.memory_space<vmem>> -> memref<64xf32, #tpu.memory_space<vmem>>
    tpu.enqueue_dma source(%dma_start3A_388 : memref<64xf32, #tpu.memory_space<vmem>>) target(%dma_start3A_385 : memref<64xf32, #tpu.memory_space<hbm>>) target_semaphore(%arg11 : memref<!tpu.dma_semaphore, #tpu.memory_space<semaphore_mem>>)
    %add3A_389 = arith.constant 1 : i32
    %add3A_390 = arith.addi %mul3A_2, %add3A_389 : i32
    %mul3A_391 = arith.constant 64 : i32
    %mul3A_392 = arith.muli %add3A_390, %mul3A_391 : i32
    %add3A_393 = arith.constant 4096 : i32
    %add3A_394 = arith.addi %add3A_393, %mul3A_392 : i32
    %dma_start3A_395 = arith.constant 1 : i32
    %dma_start3A_396 = arith.constant 64 : i32
    %dma_start3A_397 = tpu.memref_slice %arg7[%dma_start3A_395, %dma_start3A_396] : memref<3x128xf32, #tpu.memory_space<vmem>> -> memref<1x64xf32, #tpu.memory_space<vmem>>
    %dma_start3A_398 = tpu.memref_squeeze %dma_start3A_397 : memref<1x64xf32, #tpu.memory_space<vmem>> -> memref<64xf32, #tpu.memory_space<vmem>>
    %dma_start3A_399 = tpu.memref_slice %arg4[%add3A_394] : memref<12288xf32, #tpu.memory_space<hbm>> -> memref<64xf32, #tpu.memory_space<hbm>>
    %dma_start3A_400 = tpu.memref_slice %arg4[%add3A_394] : memref<12288xf32, #tpu.memory_space<hbm>> -> memref<64xf32, #tpu.memory_space<hbm>>
    %dma_start3A_401 = arith.constant 64 : i32
    %dma_start3A_402 = tpu.memref_slice %arg7[%dma_start3A_395, %dma_start3A_401] : memref<3x128xf32, #tpu.memory_space<vmem>> -> memref<1x64xf32, #tpu.memory_space<vmem>>
    %dma_start3A_403 = tpu.memref_squeeze %dma_start3A_402 : memref<1x64xf32, #tpu.memory_space<vmem>> -> memref<64xf32, #tpu.memory_space<vmem>>
    tpu.enqueue_dma source(%dma_start3A_403 : memref<64xf32, #tpu.memory_space<vmem>>) target(%dma_start3A_400 : memref<64xf32, #tpu.memory_space<hbm>>) target_semaphore(%arg11 : memref<!tpu.dma_semaphore, #tpu.memory_space<semaphore_mem>>)
    %add3A_404 = arith.constant 1 : i32
    %add3A_405 = arith.addi %mul3A_2, %add3A_404 : i32
    %mul3A_406 = arith.constant 64 : i32
    %mul3A_407 = arith.muli %add3A_405, %mul3A_406 : i32
    %add3A_408 = arith.constant 8192 : i32
    %add3A_409 = arith.addi %add3A_408, %mul3A_407 : i32
    %dma_start3A_410 = arith.constant 2 : i32
    %dma_start3A_411 = arith.constant 64 : i32
    %dma_start3A_412 = tpu.memref_slice %arg7[%dma_start3A_410, %dma_start3A_411] : memref<3x128xf32, #tpu.memory_space<vmem>> -> memref<1x64xf32, #tpu.memory_space<vmem>>
    %dma_start3A_413 = tpu.memref_squeeze %dma_start3A_412 : memref<1x64xf32, #tpu.memory_space<vmem>> -> memref<64xf32, #tpu.memory_space<vmem>>
    %dma_start3A_414 = tpu.memref_slice %arg4[%add3A_409] : memref<12288xf32, #tpu.memory_space<hbm>> -> memref<64xf32, #tpu.memory_space<hbm>>
    %dma_start3A_415 = tpu.memref_slice %arg4[%add3A_409] : memref<12288xf32, #tpu.memory_space<hbm>> -> memref<64xf32, #tpu.memory_space<hbm>>
    %dma_start3A_416 = arith.constant 64 : i32
    %dma_start3A_417 = tpu.memref_slice %arg7[%dma_start3A_410, %dma_start3A_416] : memref<3x128xf32, #tpu.memory_space<vmem>> -> memref<1x64xf32, #tpu.memory_space<vmem>>
    %dma_start3A_418 = tpu.memref_squeeze %dma_start3A_417 : memref<1x64xf32, #tpu.memory_space<vmem>> -> memref<64xf32, #tpu.memory_space<vmem>>
    tpu.enqueue_dma source(%dma_start3A_418 : memref<64xf32, #tpu.memory_space<vmem>>) target(%dma_start3A_415 : memref<64xf32, #tpu.memory_space<hbm>>) target_semaphore(%arg11 : memref<!tpu.dma_semaphore, #tpu.memory_space<semaphore_mem>>)
    %dma_wait3A_419 = arith.constant 0 : i32
    %dma_wait3A_420 = arith.constant 0 : i32
    %dma_wait3A_421 = tpu.memref_slice %arg7[%dma_wait3A_419, %dma_wait3A_420] : memref<3x128xf32, #tpu.memory_space<vmem>> -> memref<1x64xf32, #tpu.memory_space<vmem>>
    %dma_wait3A_422 = tpu.memref_squeeze %dma_wait3A_421 : memref<1x64xf32, #tpu.memory_space<vmem>> -> memref<64xf32, #tpu.memory_space<vmem>>
    %dma_wait3A_423 = tpu.memref_slice %arg4[%add3A_183] : memref<12288xf32, #tpu.memory_space<hbm>> -> memref<64xf32, #tpu.memory_space<hbm>>
    %dma_wait3A_424 = tpu.memref_slice %arg4[%add3A_183] : memref<12288xf32, #tpu.memory_space<hbm>> -> memref<64xf32, #tpu.memory_space<hbm>>
    %dma_wait3A_425 = arith.constant 0 : i32
    %dma_wait3A_426 = tpu.memref_slice %arg7[%dma_wait3A_419, %dma_wait3A_425] : memref<3x128xf32, #tpu.memory_space<vmem>> -> memref<1x64xf32, #tpu.memory_space<vmem>>
    %dma_wait3A_427 = tpu.memref_squeeze %dma_wait3A_426 : memref<1x64xf32, #tpu.memory_space<vmem>> -> memref<64xf32, #tpu.memory_space<vmem>>
    tpu.wait_dma2 semaphore(%arg11 : memref<!tpu.dma_semaphore, #tpu.memory_space<semaphore_mem>>) src(%dma_wait3A_427 : memref<64xf32, #tpu.memory_space<vmem>>) dst(%dma_wait3A_424 : memref<64xf32, #tpu.memory_space<hbm>>)
    %dma_wait3A_428 = arith.constant 1 : i32
    %dma_wait3A_429 = arith.constant 0 : i32
    %dma_wait3A_430 = tpu.memref_slice %arg7[%dma_wait3A_428, %dma_wait3A_429] : memref<3x128xf32, #tpu.memory_space<vmem>> -> memref<1x64xf32, #tpu.memory_space<vmem>>
    %dma_wait3A_431 = tpu.memref_squeeze %dma_wait3A_430 : memref<1x64xf32, #tpu.memory_space<vmem>> -> memref<64xf32, #tpu.memory_space<vmem>>
    %dma_wait3A_432 = tpu.memref_slice %arg4[%add3A_198] : memref<12288xf32, #tpu.memory_space<hbm>> -> memref<64xf32, #tpu.memory_space<hbm>>
    %dma_wait3A_433 = tpu.memref_slice %arg4[%add3A_198] : memref<12288xf32, #tpu.memory_space<hbm>> -> memref<64xf32, #tpu.memory_space<hbm>>
    %dma_wait3A_434 = arith.constant 0 : i32
    %dma_wait3A_435 = tpu.memref_slice %arg7[%dma_wait3A_428, %dma_wait3A_434] : memref<3x128xf32, #tpu.memory_space<vmem>> -> memref<1x64xf32, #tpu.memory_space<vmem>>
    %dma_wait3A_436 = tpu.memref_squeeze %dma_wait3A_435 : memref<1x64xf32, #tpu.memory_space<vmem>> -> memref<64xf32, #tpu.memory_space<vmem>>
    tpu.wait_dma2 semaphore(%arg11 : memref<!tpu.dma_semaphore, #tpu.memory_space<semaphore_mem>>) src(%dma_wait3A_436 : memref<64xf32, #tpu.memory_space<vmem>>) dst(%dma_wait3A_433 : memref<64xf32, #tpu.memory_space<hbm>>)
    %dma_wait3A_437 = arith.constant 2 : i32
    %dma_wait3A_438 = arith.constant 0 : i32
    %dma_wait3A_439 = tpu.memref_slice %arg7[%dma_wait3A_437, %dma_wait3A_438] : memref<3x128xf32, #tpu.memory_space<vmem>> -> memref<1x64xf32, #tpu.memory_space<vmem>>
    %dma_wait3A_440 = tpu.memref_squeeze %dma_wait3A_439 : memref<1x64xf32, #tpu.memory_space<vmem>> -> memref<64xf32, #tpu.memory_space<vmem>>
    %dma_wait3A_441 = tpu.memref_slice %arg4[%add3A_213] : memref<12288xf32, #tpu.memory_space<hbm>> -> memref<64xf32, #tpu.memory_space<hbm>>
    %dma_wait3A_442 = tpu.memref_slice %arg4[%add3A_213] : memref<12288xf32, #tpu.memory_space<hbm>> -> memref<64xf32, #tpu.memory_space<hbm>>
    %dma_wait3A_443 = arith.constant 0 : i32
    %dma_wait3A_444 = tpu.memref_slice %arg7[%dma_wait3A_437, %dma_wait3A_443] : memref<3x128xf32, #tpu.memory_space<vmem>> -> memref<1x64xf32, #tpu.memory_space<vmem>>
    %dma_wait3A_445 = tpu.memref_squeeze %dma_wait3A_444 : memref<1x64xf32, #tpu.memory_space<vmem>> -> memref<64xf32, #tpu.memory_space<vmem>>
    tpu.wait_dma2 semaphore(%arg11 : memref<!tpu.dma_semaphore, #tpu.memory_space<semaphore_mem>>) src(%dma_wait3A_445 : memref<64xf32, #tpu.memory_space<vmem>>) dst(%dma_wait3A_442 : memref<64xf32, #tpu.memory_space<hbm>>)
    %dma_wait3A_446 = arith.constant 0 : i32
    %dma_wait3A_447 = arith.constant 64 : i32
    %dma_wait3A_448 = tpu.memref_slice %arg7[%dma_wait3A_446, %dma_wait3A_447] : memref<3x128xf32, #tpu.memory_space<vmem>> -> memref<1x64xf32, #tpu.memory_space<vmem>>
    %dma_wait3A_449 = tpu.memref_squeeze %dma_wait3A_448 : memref<1x64xf32, #tpu.memory_space<vmem>> -> memref<64xf32, #tpu.memory_space<vmem>>
    %dma_wait3A_450 = tpu.memref_slice %arg4[%add3A_379] : memref<12288xf32, #tpu.memory_space<hbm>> -> memref<64xf32, #tpu.memory_space<hbm>>
    %dma_wait3A_451 = tpu.memref_slice %arg4[%add3A_379] : memref<12288xf32, #tpu.memory_space<hbm>> -> memref<64xf32, #tpu.memory_space<hbm>>
    %dma_wait3A_452 = arith.constant 64 : i32
    %dma_wait3A_453 = tpu.memref_slice %arg7[%dma_wait3A_446, %dma_wait3A_452] : memref<3x128xf32, #tpu.memory_space<vmem>> -> memref<1x64xf32, #tpu.memory_space<vmem>>
    %dma_wait3A_454 = tpu.memref_squeeze %dma_wait3A_453 : memref<1x64xf32, #tpu.memory_space<vmem>> -> memref<64xf32, #tpu.memory_space<vmem>>
    tpu.wait_dma2 semaphore(%arg11 : memref<!tpu.dma_semaphore, #tpu.memory_space<semaphore_mem>>) src(%dma_wait3A_454 : memref<64xf32, #tpu.memory_space<vmem>>) dst(%dma_wait3A_451 : memref<64xf32, #tpu.memory_space<hbm>>)
    %dma_wait3A_455 = arith.constant 1 : i32
    %dma_wait3A_456 = arith.constant 64 : i32
    %dma_wait3A_457 = tpu.memref_slice %arg7[%dma_wait3A_455, %dma_wait3A_456] : memref<3x128xf32, #tpu.memory_space<vmem>> -> memref<1x64xf32, #tpu.memory_space<vmem>>
    %dma_wait3A_458 = tpu.memref_squeeze %dma_wait3A_457 : memref<1x64xf32, #tpu.memory_space<vmem>> -> memref<64xf32, #tpu.memory_space<vmem>>
    %dma_wait3A_459 = tpu.memref_slice %arg4[%add3A_394] : memref<12288xf32, #tpu.memory_space<hbm>> -> memref<64xf32, #tpu.memory_space<hbm>>
    %dma_wait3A_460 = tpu.memref_slice %arg4[%add3A_394] : memref<12288xf32, #tpu.memory_space<hbm>> -> memref<64xf32, #tpu.memory_space<hbm>>
    %dma_wait3A_461 = arith.constant 64 : i32
    %dma_wait3A_462 = tpu.memref_slice %arg7[%dma_wait3A_455, %dma_wait3A_461] : memref<3x128xf32, #tpu.memory_space<vmem>> -> memref<1x64xf32, #tpu.memory_space<vmem>>
    %dma_wait3A_463 = tpu.memref_squeeze %dma_wait3A_462 : memref<1x64xf32, #tpu.memory_space<vmem>> -> memref<64xf32, #tpu.memory_space<vmem>>
    tpu.wait_dma2 semaphore(%arg11 : memref<!tpu.dma_semaphore, #tpu.memory_space<semaphore_mem>>) src(%dma_wait3A_463 : memref<64xf32, #tpu.memory_space<vmem>>) dst(%dma_wait3A_460 : memref<64xf32, #tpu.memory_space<hbm>>)
    %dma_wait3A_464 = arith.constant 2 : i32
    %dma_wait3A_465 = arith.constant 64 : i32
    %dma_wait3A_466 = tpu.memref_slice %arg7[%dma_wait3A_464, %dma_wait3A_465] : memref<3x128xf32, #tpu.memory_space<vmem>> -> memref<1x64xf32, #tpu.memory_space<vmem>>
    %dma_wait3A_467 = tpu.memref_squeeze %dma_wait3A_466 : memref<1x64xf32, #tpu.memory_space<vmem>> -> memref<64xf32, #tpu.memory_space<vmem>>
    %dma_wait3A_468 = tpu.memref_slice %arg4[%add3A_409] : memref<12288xf32, #tpu.memory_space<hbm>> -> memref<64xf32, #tpu.memory_space<hbm>>
    %dma_wait3A_469 = tpu.memref_slice %arg4[%add3A_409] : memref<12288xf32, #tpu.memory_space<hbm>> -> memref<64xf32, #tpu.memory_space<hbm>>
    %dma_wait3A_470 = arith.constant 64 : i32
    %dma_wait3A_471 = tpu.memref_slice %arg7[%dma_wait3A_464, %dma_wait3A_470] : memref<3x128xf32, #tpu.memory_space<vmem>> -> memref<1x64xf32, #tpu.memory_space<vmem>>
    %dma_wait3A_472 = tpu.memref_squeeze %dma_wait3A_471 : memref<1x64xf32, #tpu.memory_space<vmem>> -> memref<64xf32, #tpu.memory_space<vmem>>
    tpu.wait_dma2 semaphore(%arg11 : memref<!tpu.dma_semaphore, #tpu.memory_space<semaphore_mem>>) src(%dma_wait3A_472 : memref<64xf32, #tpu.memory_space<vmem>>) dst(%dma_wait3A_469 : memref<64xf32, #tpu.memory_space<hbm>>)
    return
  }
}

</mosaic_0001>

<sc_bundles>
// kernel: kernel.3.cloned.1.call-start
scs
__scs_entry_jumppad:
0x0: {  	(pc) =	sbr.rel $0x88, $3  }
0x1: {  	(tag) =	ssettag $0x0;
	lr =	simm.s32 $0x1  }
0x2: {  	[smem:$0x3F9F] =	sst lr;
	_ =	strace $0xD0000000  }
0x3: {  	_ = 	snop  }
0x4: {  	_ = 	snop  }
0x5: {  	_ = 	snop  }
0x6: {  	_ = 	snop  }
0x7: {  	_ = 	snop  }
__scs_overlays_trampoline_lowered:
0x8: {  	[smem:$0x3FAE] =	sst s0  }
0x9: {  	[smem:$0x3FAF] =	sst s1  }
0xa: {  	[smem:$0x3FB0] =	sst s2  }
0xb: {  	[smem:$0x3FB1] =	sst s3  }
0xc: {  	[smem:$0x3FB2] =	sst s4  }
0xd: {  	[smem:$0x3FB3] =	sst s5  }
0xe: {  	[smem:$0x3FB4] =	sst s6  }
0xf: {  	[smem:$0x3FB5] =	sst s7  }
0x10: {  	[smem:$0x3FB6] =	sst s8  }
0x11: {  	[smem:$0x3FB7] =	sst s9;
	s0 =	simm.s32 @!p0 $0x0  }
0x12: {  	s1 =	sld [smem:$0x3F9D];
	s0 =	simm.s32 @p0 $0x1  }
0x13: {  	[smem:$0x3FB8] =	sst s0;
	s0 =	simm.s32 @!p1 $0x0  }
0x14: {  	s2 =	sld [smem:$0x3F9C];
	s0 =	simm.s32 @p1 $0x1  }
0x15: {  	[smem:$0x3FB9] =	sst s0;
	s0 =	simm.s32 @!p2 $0x0  }
0x16: {  	s3 =	sld [smem:$0x3FDB];
	s0 =	simm.s32 @p2 $0x1  }
0x17: {  	s4 =	simm.s32 $0x1BF5;
	[smem:$0x3FBB] =	sst s0  }
0x18: {  	s0 =	sld [smem:$0x3F9E];
	_ =	swait.ge [sflag:s4], $0x0  }
0x19: {  	s7 =	sld [smem:$0x3F9F]  }
0x1a: {  	s8 =	sadd.s32 $0xFFFFE003, lr  }
0x1b: {  	s9 =	sadd.s32 $0xFFFFFEF7, lr;
	s5 =	simm.s32 $0xFFFFFFFF;
	p2 =	slt.u32 s8, $0xFFFFF086  }
0x1c: {  	p1 =	slt.u32 s9, $0xF7A;
	s5 =	simm.s32 @!p2 $0x0  }
0x1d: {  	s5 =	simm.s32 @p1 $0x1;
	p0 =	seq.s32 s7, s2  }
0x1e: {  	s7 =	smul.u32 @!p0 $0xF7A, s2;
	p2 =	seq.s32 @!p0 s5, $0x0  }
0x1f: {  	s9 =	smul.u32 $0xF7A, s1;
	s8 =	simm.s32 @!p0 $0x1BF5;
	p2 =	por !p2, p0  }
0x20: {  	[sflag:s8] =	ssyncset.s32 @!p0 $0xFFFFF086;
	s6 =	sadd.s32 @!p0 s3, s7;
	s7 =	simm.s32 @!p0 $0x108  }
0x21: {  	s3 =	sadd.s32 s3, s9;
	s6 =	sadd.s32 @!p0 $0x88, s6;
	s7 =	simm.s32 @p2 $0x1082  }
0x22: {  	[simem:s7], [sflag:s8] =	dma.local @!p0 [hbm:s6], $0xF7A  }
0x23: {  	s9 =	sor.u32 $0xD0000000, s2;
	s6 =	simm.s32 $0x108;
	_ =	swait.ge @!p0 [sflag:s8], $0x0  }
0x24: {  	s3 =	sadd.s32 $0x88, s3;
	s6 =	simm.s32 @!p1 $0x1082;
	[sflag:s4] =	ssyncset.s32 $0xFFFFF086  }
0x25: {  	[simem:s6], [sflag:s4] =	dma.local [hbm:s3], $0xF7A  }
0x26: {  	[smem:$0x3F9F] =	sst s1;
	(tag) =	ssettag s2;
	_ =	strace s9  }
0x27: {  	s1 =	sld [smem:$0x3FAF]  }
0x28: {  	s2 =	sld [smem:$0x3FB0]  }
0x29: {  	s4 =	sld [smem:$0x3FB2]  }
0x2a: {  	p0 =	seq.s32 s5, $0x0;
	s5 =	sld [smem:$0x3FB3]  }
0x2b: {  	s6 =	sld [smem:$0x3FB4]  }
0x2c: {  	s7 =	sld [smem:$0x3FB5]  }
0x2d: {  	s3 =	simm.s32 $0x108;
	s8 =	sld [smem:$0x3FB6]  }
0x2e: {  	s3 =	simm.s32 @!p0 $0x1082;
	s9 =	sld [smem:$0x3FB7]  }
0x2f: {  	lr =	sadd.s32 s0, s3;
	s0 =	sld [smem:$0x3FAE]  }
0x30: {  	s3 =	sld [smem:$0x3FB1]  }
0x31: {  	[smem:$0x3FBA] =	sst s10  }
0x32: {  	s10 =	sld [smem:$0x3FB8];
	_ =	sdelay $0x3  }
0x33: {  	p0 =	seq.s32 s10, $0x1;
	s10 =	sld [smem:$0x3FBA];
	_ =	sdelay $0x3  }
0x34: {  	[smem:$0x3FBA] =	sst s10  }
0x35: {  	s10 =	sld [smem:$0x3FB9];
	_ =	sdelay $0x3  }
0x36: {  	p1 =	seq.s32 s10, $0x1;
	s10 =	sld [smem:$0x3FBA];
	_ =	sdelay $0x3  }
0x37: {  	[smem:$0x3FBA] =	sst s10  }
0x38: {  	s10 =	sld [smem:$0x3FBB]  }
0x39: {  	_ = 	snop;
	(pc) =	sbr.ind lr, $3  }
0x3a: {  	_ = 	snop  }
0x3b: {  	_ = 	snop  }
0x3c: {  	p2 =	seq.s32 s10, $0x1;
	s10 =	sld [smem:$0x3FBA]  }
0x3d: {  	_ =	shalt  }
0x3e: {  	_ =	shalt  }
0x3f: {  	_ =	shalt  }
0x40: {  	_ =	shalt  }
0x41: {  	_ =	shalt  }
0x42: {  	_ =	shalt  }
0x43: {  	_ =	shalt  }
0x44: {  	_ =	shalt  }
0x45: {  	_ =	shalt  }
0x46: {  	_ =	shalt  }
0x47: {  	_ =	shalt  }
0x48: {  	_ =	shalt  }
0x49: {  	_ =	shalt  }
0x4a: {  	_ =	shalt  }
0x4b: {  	_ =	shalt  }
0x4c: {  	_ =	shalt  }
0x4d: {  	_ =	shalt  }
0x4e: {  	_ =	shalt  }
0x4f: {  	_ =	shalt  }
0x50: {  	_ =	shalt  }
0x51: {  	_ =	shalt  }
0x52: {  	_ =	shalt  }
0x53: {  	_ =	shalt  }
0x54: {  	_ =	shalt  }
0x55: {  	_ =	shalt  }
0x56: {  	_ =	shalt  }
0x57: {  	_ =	shalt  }
0x58: {  	_ =	shalt  }
0x59: {  	_ =	shalt  }
0x5a: {  	_ =	shalt  }
0x5b: {  	_ =	shalt  }
0x5c: {  	_ =	shalt  }
0x5d: {  	_ =	shalt  }
0x5e: {  	_ =	shalt  }
0x5f: {  	_ =	shalt  }
0x60: {  	_ =	shalt  }
0x61: {  	_ =	shalt  }
0x62: {  	_ =	shalt  }
0x63: {  	_ =	shalt  }
0x64: {  	_ =	shalt  }
0x65: {  	_ =	shalt  }
0x66: {  	_ =	shalt  }
0x67: {  	_ =	shalt  }
0x68: {  	_ =	shalt  }
0x69: {  	_ =	shalt  }
0x6a: {  	_ =	shalt  }
0x6b: {  	_ =	shalt  }
0x6c: {  	_ =	shalt  }
0x6d: {  	_ =	shalt  }
0x6e: {  	_ =	shalt  }
0x6f: {  	_ =	shalt  }
0x70: {  	_ =	shalt  }
0x71: {  	_ =	shalt  }
0x72: {  	_ =	shalt  }
0x73: {  	_ =	shalt  }
0x74: {  	_ =	shalt  }
0x75: {  	_ =	shalt  }
0x76: {  	_ =	shalt  }
0x77: {  	_ =	shalt  }
0x78: {  	_ =	shalt  }
0x79: {  	_ =	shalt  }
0x7a: {  	_ =	shalt  }
0x7b: {  	_ =	shalt  }
0x7c: {  	_ =	shalt  }
0x7d: {  	_ =	shalt  }
0x7e: {  	_ =	shalt  }
0x7f: {  	_ =	shalt  }
0x80: {  	_ =	shalt  }
0x81: {  	_ =	shalt  }
0x82: {  	_ =	shalt  }
0x83: {  	_ =	shalt  }
0x84: {  	_ =	shalt  }
0x85: {  	_ =	shalt  }
0x86: {  	_ =	shalt  }
0x87: {  	_ =	shalt  }
.Lfunc_end0:
.L_simem_size_0:
called_computation_lowered:
.L_overlay_start_0:
0x88: {  	s2 =	sld [smem:$0x3FD9]  }
0x89: {  	s3 =	sld [smem:$0x3FFE];
	_ =	sdelay $0x1  }
0x8a: {  	s1 =	srdreg.scid  }
0x8b: {  	s0 =	sand.u32 $0x1, s1  }
0x8c: {  	s17 =	sshll.u32 s0, $0xA;
	s2 =	sadd.s32 s3, s2  }
0x8d: {  	s2 =	sadd.s32 s2, s17  }
0x8e: {  	[smem:$0x3FC6] =	sst s2  }
0x8f: {  	_ = 	snop  }
0x90: {  	s2 =	sld [smem:$0x3FC9]  }
0x91: {  	s18 =	sld [smem:$0x3FD0];
	(tm) =	ssettm $0x1  }
0x92: {  	s4 =	sld [smem:$0x3FFB];
	_ =	sdelay $0x3  }
0x93: {  	_ =	strace s4  }
0x94: {  	s4 =	sld [smem:$0x3FFC];
	_ =	sdelay $0x3  }
0x95: {  	_ =	strace s4  }
0x96: {  	s4 =	sld [smem:$0x3FFD];
	_ =	sdelay $0x3  }
0x97: {  	_ =	strace s4  }
0x98: {  	_ =	strace $0x8FFFFFFF  }
0x99: {  	s19 =	sld [smem:$0x3FDB];
	_ =	sdelay $0x1  }
0x9a: {  	s5 =	simm.s32 $_scs_section_size  }
0x9b: {  	s6 =	simm.s32 $_size__tile_overlayer_lowered;
	s7 =	simm.s32 $_tile_overlayer_lowered  }
0x9c: {  	s22 =	simm.s32 $0x1BFF;
	s21 =	sshll.u32 s7, $0x1;
	s4 =	sadd.s32 s5, s19  }
0x9d: {  	s8 =	simm.s32 $0x0;
	s20 =	sshll.u32 s6, $0x1;
	s6 =	sadd.s32 s21, s4  }
0x9e: {  	[timem:s8], [sflag:s22] =	dma.local [hbm:s6], s20  }
0x9f: {  	_ =	swait.ge [sflag:s22], s20  }
0xa0: {  	s5 =	ssub.s32 $0x0, s20;
	[sflag:s22] =	ssyncset.done $0x0  }
0xa1: {  	[sflag:s22] =	ssyncadd.s32 s5;
	_ =	sdelay $0x1  }
0xa2: {  	s23 =	simm.s32 $0x1B8B  }
0xa3: {  	_ =	swait.ge [sflag:s23], $0x1  }
0xa4: {  	[sflag:s23] =	ssyncset.done $0x0  }
0xa5: {  	s25 =	simm.s32 $0x1B8E;
	s24 =	sld [smem:$0x3FFE];
	[sflag:s23] =	ssyncadd.s32 $0xFFFFFFFF  }
0xa6: {  	s26 =	simm.s32 $execute0_lowered;
	[smem:$0x3FD2] =	sst s25  }
0xa7: {  	s6 =	sshll.u32 s26, $0x1;
	_ =	strace $0x80000046;
	[dreg:$0x1] =	wrdreg $0xFFFFFFFF  }
0xa8: {  	s28 =	simm.s32 $_size_execute0_lowered;
	s4 =	sadd.s32 s4, s6;
	[dreg:$0x0] =	wrdreg $0x0  }
0xa9: {  	s6 =	sshll.u32 s28, $0x1;
	[dreg:$0x2] =	wrdreg s4  }
0xaa: {  	[dreg:$0x3] =	wrdreg s6  }
0xab: {  	[dreg:$0x4] =	wrdreg $0xC0  }
0xac: {  	_ =	task [dreg:s8], $0x5FFFF  }
0xad: {  	[dreg:$0x1] =	wrdreg $0xFFFFFFFF  }
0xae: {  	[dreg:$0x0] =	wrdreg $0x60  }
0xaf: {  	[dreg:$0x2] =	wrdreg s2  }
0xb0: {  	[dreg:$0x3] =	wrdreg s18  }
0xb1: {  	[dreg:$0x4] =	wrdreg s24  }
0xb2: {  	[dreg:$0x5] =	wrdreg $0x9  }
0xb3: {  	_ =	task.clear_ibuf [dreg:s8], $0x6FFFF;
	_ =	strace $0x90000046  }
0xb4: {  	s29 =	simm.s32 $0x9;
	_ =	strace $0x80000048  }
0xb5: {  	_ =	swait.ge [sflag:s29], $0x1  }
0xb6: {  	[sflag:s29] =	ssyncadd.s32 $0xFFFFFFFF  }
0xb7: {  	_ =	strace $0x90000048  }
0xb8: {  	_ =	sfence  }
0xb9: {  	s30 =	sld [smem:$0x0];
	_ =	sdelay $0x2  }
0xba: {  	s31 =	sshll.u32 s1, $0xD;
	s1 =	sshrl.u32 s1, $0x2  }
0xbb: {  	s3 =	sand.u32 $0x4000, s31;
	s1 =	sadd.s32 s1, s30  }
0xbc: {  	s0 =	sor.u32 s3, s0;
	s1 =	sshll.u32 s1, $0x11  }
0xbd: {  	s0 =	sor.u32 s1, s0  }
0xbe: {  	s0 =	sadd.s32 $0x8F2B, s0  }
0xbf: {  	[sflag:s0] =	ssyncadd.remote.s32 $0x1  }
0xc0: {  	_ =	sfence.sel $0xFFFF  }
0xc1: {  	[dreg:$0x0] =	wrdreg $0xFFFFFFFF;
	(pc) =	sbr.abs _section_cstart, $3  }
0xc2: {  	[dreg:$0x1] =	wrdreg $0xFFFFFFFF  }
0xc3: {  	_ =	task.clear_ibuf [dreg:s8], $0x2FFFF;
	_ =	strace $0x9FFFFFFF  }
0xc4: {  	(tm) =	ssettm $0x7FFFFFFF  }
0xc5: {  	_ =	shalt  }
tec
execute0_lowered:
.L_overlay_start_1:
0x0: {  	(tag) =	ssettag $0x1  }
0x1: {  	s0 =	rddreg [dreg:$0x0]  }
0x2: {  	s1 =	rddreg [dreg:$0x1]  }
0x3: {  	s3 =	rddreg [dreg:$0x2];
	s2 =	simm.s32 $0x0;
	s4 =	srdreg.scid  }
0x4: {  	s23 =	stileid.u32;
	s14 =	simm.s32 $0x400;
	s16 =	simm.s32 $0x200  }
0x5: {  	s17 =	simm.s32 $0x300;
	s18 =	simm.s32 $0x80;
	s19 =	simm.s32 $0x180  }
0x6: {  	s20 =	simm.s32 $0x280;
	s21 =	simm.s32 $0x380;
	s22 =	simm.s32 $0x1  }
0x7: {  	s28 =	simm.s32 $0x3;
	s29 =	simm.s32 $0x4C0;
	[dreg:$0x4] =	wrdreg s1  }
0x8: {  	s30 =	simm.s32 $0x540;
	s31 =	simm.s32 $0x5C0;
	[smem:$0x7FF] =	sst s2  }
0x9: {  	s4 =	sand.u32 $0x1, s4;
	s6 =	sshll.u32 s23, $0x1;
	s7 =	sadd.s32 $0x400, s3  }
0xa: {  	s10 =	sadd.s32 $0x600, s3;
	s11 =	sadd.s32 $0x800, s3;
	s23 =	simm.s32 $0x2  }
0xb: {  	_ =	strace $0x80000047;
	s5 =	ssub.s32 $0x2, s4;
	s4 =	sor.u32 s4, s6  }
0xc: {  	s8 =	sshrl.u32 s5, $0x1;
	s24 =	sshll.u32 s4, $0xA;
	s6 =	sshll.u32 s4, $0x4  }
0xd: {  	s4 =	sshllo.u32 s4, $0x1;
	s8 =	ssub.s32 s5, s8;
	s9 =	sadd.s32 s7, s6  }
0xe: {  	s25 =	sadd.s32 s6, s10;
	s3 =	sadd.s32 s6, s11;
	[dreg:$0x5] =	wrdreg s9  }
0xf: {  	s26 =	sshll.u32 s4, $0x3;
	s4 =	sshll.u32 s4, $0x9;
	[dreg:$0x6] =	wrdreg s25  }
0x10: {  	v0 =	vlaneseq.u32;
	[dreg:$0x7] =	wrdreg s3;
	s7 =	sadd.s32 s7, s26;
	s3 =	sadd.s32 s0, s24  }
0x11: {  	v0 =	vmul.u32 $0x8, v0;
	s4 =	sadd.s32 s0, s4;
	s5 =	sadd.s32 s26, s10;
	s6 =	sadd.s32 s26, s11  }
0x12: {  	s24 =	simm.s32 $0x480;
	s25 =	simm.s32 $0x500;
	s26 =	simm.s32 $0x580  }
0x13: {  	v1 =	vor.u32 $0x100, v0;
	s0 =	simm.s32 $0x4;
	[dreg:$0x8] =	wrdreg s7;
	s7 =	smax.u32 s8, $0x1  }
0x14: {  	v2 =	vor.u32 $0x200, v0;
	v3 =	vor.u32 $0x300, v0;
	v4 =	vor.u32 $0x80, v0;
	s8 =	sadd.s32 $0x10, s3;
	s9 =	sadd.s32 $0x20, s3;
	s10 =	sadd.s32 $0x30, s3  }
0x15: {  	v5 =	vor.u32 $0x180, v0;
	v6 =	vor.u32 $0x280, v0;
	v7 =	vor.u32 $0x380, v0;
	s11 =	sadd.s32 $0x10, s4;
	s12 =	sadd.s32 $0x20, s4;
	s13 =	sadd.s32 $0x30, s4  }
.LBB2_1:
0x16: {  	s1 =	rddreg [dreg:$0x4]  }
0x17: {  	[tilespmem:s14], [sflag:$0x1] =	stream.linear.gather [hbm4b:s1+s2], $0x80, $0x38;
	[tilespmem:$0x680] =	vst v63  }
0x18: {  	_ = 	snop  }
0x19: {  	[tilespmem:s2], [sflag:$0x2] =	stream.linear.gather [hbm4b:s3+s2], $0x80, $0x38;
	[tilespmem:$0x680] =	vst v63  }
0x1a: {  	s15 =	simm.s32 $0x100  }
0x1b: {  	[tilespmem:s15], [sflag:$0x2] =	stream.linear.gather [hbm4b:s8+s2], $0x80, $0x38;
	[tilespmem:$0x680] =	vst v63  }
0x1c: {  	_ = 	snop  }
0x1d: {  	[tilespmem:s16], [sflag:$0x2] =	stream.linear.gather [hbm4b:s9+s2], $0x80, $0x38;
	[tilespmem:$0x680] =	vst v63  }
0x1e: {  	_ = 	snop  }
0x1f: {  	[tilespmem:s17], [sflag:$0x2] =	stream.linear.gather [hbm4b:s10+s2], $0x80, $0x38;
	[tilespmem:$0x680] =	vst v63  }
0x20: {  	_ = 	snop  }
0x21: {  	[tilespmem:s18], [sflag:$0x3] =	stream.linear.gather [hbm4b:s4+s2], $0x80, $0x38;
	[tilespmem:$0x680] =	vst v63  }
0x22: {  	_ = 	snop  }
0x23: {  	[tilespmem:s19], [sflag:$0x3] =	stream.linear.gather [hbm4b:s11+s2], $0x80, $0x38;
	[tilespmem:$0x680] =	vst v63  }
0x24: {  	_ = 	snop  }
0x25: {  	[tilespmem:s20], [sflag:$0x3] =	stream.linear.gather [hbm4b:s12+s2], $0x80, $0x38;
	[tilespmem:$0x680] =	vst v63  }
0x26: {  	_ = 	snop  }
0x27: {  	[tilespmem:s21], [sflag:$0x3] =	stream.linear.gather [hbm4b:s13+s2], $0x80, $0x38;
	[tilespmem:$0x680] =	vst v63  }
0x28: {  	_ =	swait.ge [sflag:s22], $0x80  }
0x29: {  	[sflag:s22] =	ssyncset.done $0x0  }
0x2a: {  	[sflag:s22] =	ssyncadd.s32 $0xFFFFFF80  }
0x2b: {  	_ =	swait.ge [sflag:s23], $0x200  }
0x2c: {  	[sflag:s23] =	ssyncset.done $0x0  }
0x2d: {  	[sflag:s23] =	ssyncadd.s32 $0xFFFFFE00  }
0x2e: {  	v8 =	vld.idx.msk [tilespmem:v0+s2+$0x0], $0xffff;
	_ =	sdelay $0x4  }
0x2f: {  	v8 =	vmul.u32 $0x3, v8;
	_ =	sdelay $0x5  }
0x30: {  	v9 =	vld.idx.msk [tilespmem:v8+s14+$0x0], $0xffff  }
0x31: {  	v10 =	vadd.s32 $0x1, v8;
	_ =	sdelay $0x3  }
0x32: {  	[tilespmem:$0x480] =	vst v9  }
0x33: {  	v9 =	vld.idx.msk [tilespmem:v10+s14+$0x0], $0xffff  }
0x34: {  	v8 =	vadd.s32 $0x2, v8;
	_ =	sdelay $0x3  }
0x35: {  	[tilespmem:$0x500] =	vst v9  }
0x36: {  	v8 =	vld.idx.msk [tilespmem:v8+s14+$0x0], $0xffff;
	_ =	sdelay $0x4  }
0x37: {  	[tilespmem:$0x580] =	vst v8  }
0x38: {  	v8 =	vld.idx.msk [tilespmem:v1+s2+$0x0], $0xffff;
	_ =	sdelay $0x4  }
0x39: {  	v8 =	vmul.u32 $0x3, v8;
	_ =	sdelay $0x5  }
0x3a: {  	v9 =	vld.idx.msk [tilespmem:v8+s14+$0x0], $0xffff  }
0x3b: {  	v56 =	vadd.s32 $0x1, v8;
	_ =	sdelay $0x3  }
0x3c: {  	[tilespmem:$0x490] =	vst v9  }
0x3d: {  	v9 =	vld.idx.msk [tilespmem:v56+s14+$0x0], $0xffff  }
0x3e: {  	v8 =	vadd.s32 $0x2, v8;
	_ =	sdelay $0x3  }
0x3f: {  	[tilespmem:$0x510] =	vst v9  }
0x40: {  	v8 =	vld.idx.msk [tilespmem:v8+s14+$0x0], $0xffff;
	_ =	sdelay $0x4  }
0x41: {  	[tilespmem:$0x590] =	vst v8  }
0x42: {  	v8 =	vld.idx.msk [tilespmem:v2+s2+$0x0], $0xffff;
	_ =	sdelay $0x4  }
0x43: {  	v8 =	vmul.u32 $0x3, v8;
	_ =	sdelay $0x5  }
0x44: {  	v9 =	vld.idx.msk [tilespmem:v8+s14+$0x0], $0xffff  }
0x45: {  	v57 =	vadd.s32 $0x1, v8;
	_ =	sdelay $0x3  }
0x46: {  	[tilespmem:$0x4A0] =	vst v9  }
0x47: {  	v9 =	vld.idx.msk [tilespmem:v57+s14+$0x0], $0xffff  }
0x48: {  	v8 =	vadd.s32 $0x2, v8;
	_ =	sdelay $0x3  }
0x49: {  	[tilespmem:$0x520] =	vst v9  }
0x4a: {  	v8 =	vld.idx.msk [tilespmem:v8+s14+$0x0], $0xffff;
	_ =	sdelay $0x4  }
0x4b: {  	[tilespmem:$0x5A0] =	vst v8  }
0x4c: {  	v8 =	vld.idx.msk [tilespmem:v3+s2+$0x0], $0xffff;
	_ =	sdelay $0x4  }
0x4d: {  	v8 =	vmul.u32 $0x3, v8;
	_ =	sdelay $0x5  }
0x4e: {  	v9 =	vld.idx.msk [tilespmem:v8+s14+$0x0], $0xffff  }
0x4f: {  	v58 =	vadd.s32 $0x1, v8;
	_ =	sdelay $0x3  }
0x50: {  	[tilespmem:$0x4B0] =	vst v9  }
0x51: {  	v9 =	vld.idx.msk [tilespmem:v58+s14+$0x0], $0xffff  }
0x52: {  	v8 =	vadd.s32 $0x2, v8;
	_ =	sdelay $0x3  }
0x53: {  	[tilespmem:$0x530] =	vst v9  }
0x54: {  	v8 =	vld.idx.msk [tilespmem:v8+s14+$0x0], $0xffff;
	_ =	sdelay $0x4  }
0x55: {  	s1 =	rddreg [dreg:$0x5];
	[tilespmem:$0x5B0] =	vst v8  }
0x56: {  	[hbm4b:s1+s2] =	stream.linear.scatter [tilespmem:s24], [sflag:$0x4], $0x40, $0x38;
	[tilespmem:$0x680] =	vst v63  }
0x57: {  	s15 =	rddreg [dreg:$0x6]  }
0x58: {  	[hbm4b:s15+s2] =	stream.linear.scatter [tilespmem:s25], [sflag:$0x4], $0x40, $0x38;
	[tilespmem:$0x680] =	vst v63  }
0x59: {  	s1 =	rddreg [dreg:$0x7]  }
0x5a: {  	[hbm4b:s1+s2] =	stream.linear.scatter [tilespmem:s26], [sflag:$0x4], $0x40, $0x38;
	[tilespmem:$0x680] =	vst v63  }
0x5b: {  	_ =	swait.ge [sflag:s28], $0x200  }
0x5c: {  	[sflag:s28] =	ssyncset.done $0x0  }
0x5d: {  	[sflag:s28] =	ssyncadd.s32 $0xFFFFFE00  }
0x5e: {  	v8 =	vld.idx.msk [tilespmem:v4+s2+$0x0], $0xffff;
	_ =	sdelay $0x4  }
0x5f: {  	v8 =	vmul.u32 $0x3, v8;
	_ =	sdelay $0x5  }
0x60: {  	v59 =	vld.idx.msk [tilespmem:v8+s14+$0x0], $0xffff  }
0x61: {  	v60 =	vadd.s32 $0x1, v8;
	_ =	sdelay $0x3  }
0x62: {  	[tilespmem:$0x4C0] =	vst v59  }
0x63: {  	v9 =	vld.idx.msk [tilespmem:v60+s14+$0x0], $0xffff  }
0x64: {  	v8 =	vadd.s32 $0x2, v8;
	_ =	sdelay $0x3  }
0x65: {  	[tilespmem:$0x540] =	vst v9  }
0x66: {  	v8 =	vld.idx.msk [tilespmem:v8+s14+$0x0], $0xffff;
	_ =	sdelay $0x4  }
0x67: {  	[tilespmem:$0x5C0] =	vst v8  }
0x68: {  	v8 =	vld.idx.msk [tilespmem:v5+s2+$0x0], $0xffff;
	_ =	sdelay $0x4  }
0x69: {  	v8 =	vmul.u32 $0x3, v8;
	_ =	sdelay $0x5  }
0x6a: {  	v9 =	vld.idx.msk [tilespmem:v8+s14+$0x0], $0xffff  }
0x6b: {  	v61 =	vadd.s32 $0x1, v8;
	_ =	sdelay $0x3  }
0x6c: {  	[tilespmem:$0x4D0] =	vst v9  }
0x6d: {  	v9 =	vld.idx.msk [tilespmem:v61+s14+$0x0], $0xffff  }
0x6e: {  	v8 =	vadd.s32 $0x2, v8;
	_ =	sdelay $0x3  }
0x6f: {  	[tilespmem:$0x550] =	vst v9  }
0x70: {  	v8 =	vld.idx.msk [tilespmem:v8+s14+$0x0], $0xffff;
	_ =	sdelay $0x4  }
0x71: {  	[tilespmem:$0x5D0] =	vst v8  }
0x72: {  	v8 =	vld.idx.msk [tilespmem:v6+s2+$0x0], $0xffff;
	_ =	sdelay $0x4  }
0x73: {  	v8 =	vmul.u32 $0x3, v8;
	_ =	sdelay $0x5  }
0x74: {  	v9 =	vld.idx.msk [tilespmem:v8+s14+$0x0], $0xffff  }
0x75: {  	v62 =	vadd.s32 $0x1, v8;
	_ =	sdelay $0x3  }
0x76: {  	[tilespmem:$0x4E0] =	vst v9  }
0x77: {  	v9 =	vld.idx.msk [tilespmem:v62+s14+$0x0], $0xffff  }
0x78: {  	v8 =	vadd.s32 $0x2, v8;
	_ =	sdelay $0x3  }
0x79: {  	[tilespmem:$0x560] =	vst v9  }
0x7a: {  	v8 =	vld.idx.msk [tilespmem:v8+s14+$0x0], $0xffff;
	_ =	sdelay $0x4  }
0x7b: {  	[tilespmem:$0x5E0] =	vst v8  }
0x7c: {  	v8 =	vld.idx.msk [tilespmem:v7+s2+$0x0], $0xffff;
	_ =	sdelay $0x4  }
0x7d: {  	v8 =	vmul.u32 $0x3, v8;
	_ =	sdelay $0x5  }
0x7e: {  	v9 =	vld.idx.msk [tilespmem:v8+s14+$0x0], $0xffff  }
0x7f: {  	v63 =	vadd.s32 $0x1, v8;
	_ =	sdelay $0x3  }
0x80: {  	[tilespmem:$0x4F0] =	vst v9  }
0x81: {  	v9 =	vld.idx.msk [tilespmem:v63+s14+$0x0], $0xffff  }
0x82: {  	v8 =	vadd.s32 $0x2, v8;
	_ =	sdelay $0x3  }
0x83: {  	[tilespmem:$0x570] =	vst v9  }
0x84: {  	v8 =	vld.idx.msk [tilespmem:v8+s14+$0x0], $0xffff;
	_ =	sdelay $0x4  }
0x85: {  	s15 =	rddreg [dreg:$0x8];
	[tilespmem:$0x5F0] =	vst v8  }
0x86: {  	[hbm4b:s15+s2] =	stream.linear.scatter [tilespmem:s29], [sflag:$0x4], $0x40, $0x38;
	[tilespmem:$0x680] =	vst v63  }
0x87: {  	_ = 	snop  }
0x88: {  	[hbm4b:s5+s2] =	stream.linear.scatter [tilespmem:s30], [sflag:$0x4], $0x40, $0x38;
	[tilespmem:$0x680] =	vst v63  }
0x89: {  	_ = 	snop  }
0x8a: {  	[hbm4b:s6+s2] =	stream.linear.scatter [tilespmem:s31], [sflag:$0x4], $0x40, $0x38;
	[tilespmem:$0x680] =	vst v63  }
0x8b: {  	_ =	swait.ge [sflag:s0], $0x40  }
0x8c: {  	[sflag:s0] =	ssyncset.done $0x0  }
0x8d: {  	[sflag:s0] =	ssyncadd.s32 $0xFFFFFFC0  }
0x8e: {  	_ =	swait.ge [sflag:s0], $0x40  }
0x8f: {  	[sflag:s0] =	ssyncset.done $0x0  }
0x90: {  	[sflag:s0] =	ssyncadd.s32 $0xFFFFFFC0  }
0x91: {  	_ =	swait.ge [sflag:s0], $0x40  }
0x92: {  	[sflag:s0] =	ssyncset.done $0x0  }
0x93: {  	[sflag:s0] =	ssyncadd.s32 $0xFFFFFFC0  }
0x94: {  	_ =	swait.ge [sflag:s0], $0x40  }
0x95: {  	[sflag:s0] =	ssyncset.done $0x0  }
0x96: {  	[sflag:s0] =	ssyncadd.s32 $0xFFFFFFC0  }
0x97: {  	p0 =	sne.s32 s7, $0x1;
	_ =	swait.ge [sflag:s0], $0x40  }
.Ltmp0:
0x98: {  	[sflag:s0] =	ssyncset.done $0x0;
	(pc) =	sbr.rel @p0 .LBB2_1-.Ltmp0, $4  }
0x99: {  	[sflag:s0] =	ssyncadd.s32 $0xFFFFFFC0  }
0x9a: {  	_ =	swait.ge [sflag:s0], $0x40  }
0x9b: {  	[sflag:s0] =	ssyncset.done $0x0  }
0x9c: {  	s7 =	sadd.s32 $0xFFFFFFFF, s7;
	[sflag:s0] =	ssyncadd.s32 $0xFFFFFFC0  }
0x9d: {  	_ =	sfence.sel $0x180000  }
0x9e: {  	[bflag:$0x0] =	sbarrier.arrive $0xFFFF  }
0x9f: {  	_ =	strace $0x90000047  }
0xa0: {  	s0 =	stileid.u32;
	[bflag:$0x2] =	sbarrier.arrive $0xFFFF  }
0xa1: {  	p0 =	sne.s32 s0, $0x0;
	s0 =	rddreg [dreg:$0x3]  }
0xa2: {  	s0 =	sadd.s32 @!p0 $0x100000, s0  }
0xa3: {  	[sflag:s0] =	ssyncadd.tile.s32 @!p0 $0x1;
	_ =	shalt  }
.Lfunc_end2:
_tile_overlayer_lowered:
.L_overlay_start_2:
0xa4: {  	(tag) =	ssettag $0x2  }
0xa5: {  	s0 =	rddreg [dreg:$0x0];
	s2 =	stileid.u32  }
0xa6: {  	s1 =	rddreg [dreg:$0x1];
	p0 =	sne.s32 s2, $0x0  }
0xa7: {  	s3 =	rddreg [dreg:$0x2];
	[bflag:$0x3] =	sbarrier.arrive $0xFFFF;
	s2 =	simm.s32 @!p0 $0x1C05  }
0xa8: {  	[timem:s3], [sflag:s2] =	dma.local @!p0 [hbm:s0], s1  }
0xa9: {  	s0 =	simm.s32 @!p0 $0x5  }
0xaa: {  	_ =	swait.ge @!p0 [sflag:s0], s1  }
0xab: {  	s1 =	ssub.s32 @!p0 $0x0, s1;
	[sflag:s0] =	ssyncset.done @!p0 $0x0  }
0xac: {  	[sflag:s0] =	ssyncadd.s32 @!p0 s1  }
0xad: {  	[bflag:$0x3] =	sbarrier.arrive $0xFFFF  }
0xae: {  	_ =	shalt  }

</sc_bundles>
